<compile_context>
chip_gen: v7x
topology: tpu7x:2x2x1
jax: 0.10.2.dev20260603
libtpu: 0.0.44.dev20260713+nightly
codegen_flags: <defaults>
</compile_context>

<pallas_src>
import functools

import jax
import jax.numpy as jnp
from jax import lax
import jax.experimental.pallas as pl
from jax.experimental.pallas import tpu as pltpu
from jax.experimental.pallas import tpu_sc as plsc

N = 10000
E = 320000
D = 128
G = 128
NW = 32
GPW = 80
NGP = NW * GPW
EP = NGP * G
RPT = 624

_mesh = plsc.VectorSubcoreMesh(core_axis_name="c", subcore_axis_name="s")


@functools.partial(
    pl.kernel,
    out_type=jax.ShapeDtypeStruct((2, N, D), jnp.float32),
    mesh=_mesh,
    scratch_types=[
        pltpu.VMEM((1, 3, G), jnp.int32),
        pltpu.VMEM((1, 3, G), jnp.int32),
        pltpu.VMEM((G, D), jnp.float32),
        pltpu.VMEM((G, D), jnp.float32),
        pltpu.VMEM_SHARED((N, D), jnp.float32),
        pltpu.SemaphoreType.DMA,
        pltpu.SemaphoreType.DMA,
        pltpu.SemaphoreType.DMA,
        pltpu.SemaphoreType.DMA,
    ],
    compiler_params=pltpu.CompilerParams(needs_layout_passes=False),
)
def _sc_scatter(feat_h, eidx_h, out_h,
                sb0, sb1, rows0, rows1, acc, isem0, isem1, gsem0, gsem1):
    c = lax.axis_index("c")
    s = lax.axis_index("s")
    w = c * 16 + s

    zv = jnp.zeros((16,), jnp.float32)

    def zrow(r, carry):
        for j in range(8):
            rows0[r, pl.ds(j * 16, 16)] = zv
        return carry

    lax.fori_loop(0, G, zrow, 0)
    r0 = s * RPT
    for i in range(4):
        pltpu.sync_copy(rows0, acc.at[pl.ds(r0 + i * G, G)])
    pltpu.sync_copy(rows0.at[pl.ds(0, RPT - 4 * G)],
                    acc.at[pl.ds(r0 + 4 * G, RPT - 4 * G)])

    @pl.when(s == 15)
    def _():
        pltpu.sync_copy(rows0.at[pl.ds(0, 16)],
                        acc.at[pl.ds(16 * RPT, 16)])

    plsc.subcore_barrier()

    gbase = w * GPW
    c0 = jnp.full((16,), 0, jnp.int32)
    c2 = jnp.full((16,), 2, jnp.int32)

    def stage(i, sb, isem):
        pltpu.async_copy(eidx_h.at[pl.ds(gbase + i, 1)], sb, isem)

    def stage_wait(i, sb, isem):
        pltpu.make_async_copy(eidx_h.at[pl.ds(gbase + i, 1)], sb, isem).wait()

    def gissue(sb, rows, gsem):
        pltpu.async_copy(feat_h.at[sb.at[0, 0]], rows, gsem)

    def gwait(sb, rows, gsem):
        pltpu.make_async_copy(feat_h.at[sb.at[0, 0]], rows, gsem).wait()

    def scale_scatter(sb, rows):
        @plsc.parallel_loop(0, G, 1, unroll=8)
        def _(e):
            vv = plsc.bitcast(
                plsc.load_gather(sb, [c0, c2, jnp.full((16,), e, jnp.int32)]),
                jnp.float32)
            for j in range(8):
                sl = pl.ds(j * 16, 16)
                rows[e, sl] = rows[e, sl] * vv

        pltpu.sync_copy(rows, acc.at[sb.at[0, 1]], add=True)

    stage(0, sb0, isem0)
    stage_wait(0, sb0, isem0)
    gissue(sb0, rows0, gsem0)
    stage(1, sb1, isem1)

    def pair_body(p, carry):
        i0 = 2 * p
        stage_wait(i0 + 1, sb1, isem1)
        gissue(sb1, rows1, gsem1)
        gwait(sb0, rows0, gsem0)
        scale_scatter(sb0, rows0)

        @pl.when(i0 + 2 < GPW)
        def _():
            stage(i0 + 2, sb0, isem0)
            stage_wait(i0 + 2, sb0, isem0)
            gissue(sb0, rows0, gsem0)

        gwait(sb1, rows1, gsem1)
        scale_scatter(sb1, rows1)

        @pl.when(i0 + 3 < GPW)
        def _():
            stage(i0 + 3, sb1, isem1)

        return carry

    lax.fori_loop(0, GPW // 2, pair_body, 0)
    plsc.subcore_barrier()

    pltpu.sync_copy(acc.at[pl.ds(r0, RPT)], out_h.at[c].at[pl.ds(r0, RPT)])

    @pl.when(s == 15)
    def _():
        pltpu.sync_copy(acc.at[pl.ds(16 * RPT, 16)],
                        out_h.at[c].at[pl.ds(16 * RPT, 16)])


_BLK = 2000
_NBLK = N // _BLK


def _tc_body(f_ref, x0_ref, x1_ref, w1_ref, w2_ref, b1_ref, b2_ref,
             g_ref, bt_ref, o_ref, y_s, s_s, q_s):
    i = pl.program_id(0)

    @pl.when(i < _NBLK)
    def _():
        x = x0_ref[...] + x1_ref[...]
        f = f_ref[...]
        y = jnp.dot(f + x, w1_ref[...], preferred_element_type=jnp.float32)
        y = y + jnp.dot(f * x, w2_ref[...], preferred_element_type=jnp.float32)
        y = y + b1_ref[...] + b2_ref[...]
        y_s[pl.ds(i * _BLK, _BLK), :] = y

        @pl.when(i == 0)
        def _():
            s_s[...] = jnp.zeros_like(s_s)
            q_s[...] = jnp.zeros_like(q_s)

        s_s[...] += jnp.sum(y, axis=0, keepdims=True)
        q_s[...] += jnp.sum(y * y, axis=0, keepdims=True)

    @pl.when(i >= _NBLK)
    def _():
        j = i - _NBLK
        mean = s_s[...] * (1.0 / N)
        var = q_s[...] * (1.0 / N) - mean * mean
        scale = lax.rsqrt(var + 1e-5) * g_ref[...]
        o_ref[...] = (y_s[pl.ds(j * _BLK, _BLK), :] - mean) * scale \
            + bt_ref[...]


def kernel(features, edge_vals, W1, b1, W2, b2, gamma, beta, edge_src, edge_dst):
    pad = EP - E
    zi = jnp.arange(pad, dtype=jnp.int32) % N
    src2d = jnp.concatenate([edge_src, zi]).reshape(NGP, 1, G)
    dst2d = jnp.concatenate([edge_dst, zi]).reshape(NGP, 1, G)
    vbits = lax.bitcast_convert_type(
        jnp.concatenate([edge_vals, jnp.zeros((pad,), jnp.float32)]),
        jnp.int32).reshape(NGP, 1, G)
    eidx = jnp.concatenate([src2d, dst2d, vbits], axis=1)

    xp = _sc_scatter(features, eidx)

    in_row_spec = pl.BlockSpec(
        (_BLK, D), lambda i: (jnp.minimum(i, _NBLK - 1), 0))
    out_row_spec = pl.BlockSpec(
        (_BLK, D), lambda i: (jnp.maximum(i - _NBLK, 0), 0))
    full_spec = pl.BlockSpec((D, D), lambda i: (0, 0))
    vec_spec = pl.BlockSpec((1, D), lambda i: (0, 0))

    out = pl.pallas_call(
        _tc_body,
        grid=(2 * _NBLK,),
        in_specs=[in_row_spec, in_row_spec, in_row_spec, full_spec,
                  full_spec, vec_spec, vec_spec, vec_spec, vec_spec],
        out_specs=out_row_spec,
        out_shape=jax.ShapeDtypeStruct((N, D), jnp.float32),
        scratch_shapes=[
            pltpu.VMEM((N, D), jnp.float32),
            pltpu.VMEM((1, D), jnp.float32),
            pltpu.VMEM((1, D), jnp.float32),
        ],
        compiler_params=pltpu.CompilerParams(
            dimension_semantics=("arbitrary",)),
    )(features, xp[0], xp[1], W1, W2, b1.reshape(1, D), b2.reshape(1, D),
      gamma.reshape(1, D), beta.reshape(1, D))
    return out

# --- scband reference (transcript-rebuilt; emitter-appended) ---
"""Pipeline reference for scband-bi-gnnlayer-19155554140161 (READ-ONLY COPY).

The authoritative reference and input builder live on the scoring server;
editing this copy changes nothing except your own understanding.
"""

import jax, jax.numpy as jnp
import numpy as np

N = 10000
E = 320000  # avg_degree 32
D_IN = 128
D_OUT = 128


def setup_inputs(seed: int = 0) -> dict:
    key = jax.random.key(seed)
    ks = jax.random.split(key, 10)
    features = jax.random.normal(ks[0], (N, D_IN), dtype=jnp.float32)
    # Sparse Laplacian in COO form: (edge_src, edge_dst, edge_vals)
    edge_src = jax.random.randint(ks[1], (E,), 0, N, dtype=jnp.int32)
    edge_dst = jax.random.randint(ks[2], (E,), 0, N, dtype=jnp.int32)
    edge_vals = jax.random.uniform(ks[3], (E,), dtype=jnp.float32) / 32.0  # ~normalized laplacian weights
    # Linear layer params (xavier_uniform init, bias=0.01 per module _init_weights)
    limit = float(np.sqrt(6.0 / (D_IN + D_OUT)))
    W1 = jax.random.uniform(ks[4], (D_IN, D_OUT), minval=-limit, maxval=limit, dtype=jnp.float32)
    b1 = jnp.full((D_OUT,), 0.01, dtype=jnp.float32)
    W2 = jax.random.uniform(ks[5], (D_IN, D_OUT), minval=-limit, maxval=limit, dtype=jnp.float32)
    b2 = jnp.full((D_OUT,), 0.01, dtype=jnp.float32)
    # BatchNorm1d params (numerical_stability=True enables batch_norm)
    gamma = jnp.ones((D_OUT,), dtype=jnp.float32)
    beta = jnp.zeros((D_OUT,), dtype=jnp.float32)
    return {
        "features": features,
        "edge_vals": edge_vals,
        "W1": W1,
        "b1": b1,
        "W2": W2,
        "b2": b2,
        "gamma": gamma,
        "beta": beta,
        "edge_src": edge_src,
        "edge_dst": edge_dst,
    }


def reference(features, edge_vals, W1, b1, W2, b2, gamma, beta, edge_src, edge_dst):
    # x = torch.sparse.mm(lap_matrix, features): gather rows by src, scale, scatter-add by dst
    msgs = edge_vals[:, None] * jnp.take(features, edge_src, axis=0)
    x = jax.ops.segment_sum(msgs, edge_dst, num_segments=N)
    # sum_embeddings = features + L @ features  -> (L+I)E
    sum_embeddings = features + x
    # inter_part1 = linear(sum_embeddings)
    inter_part1 = sum_embeddings @ W1 + b1
    # inter_feature = LE (elementwise) E
    inter_feature = x * features
    # inter_part2 = interActTransform(inter_feature)
    inter_part2 = inter_feature @ W2 + b2
    output = inter_part1 + inter_part2
    # BatchNorm1d in training mode (batch statistics), eps=1e-5
    mean = jnp.mean(output, axis=0)
    var = jnp.var(output, axis=0)
    output = (output - mean) / jnp.sqrt(var + 1e-5) * gamma + beta
    # activation=None, dropout=0 -> no-ops
    return output

if __name__ == "__main__":
    import jax
    _d = setup_inputs()
    print(jax.jit(kernel)(*tuple(_d.values())))

</pallas_src>

<mosaic_0001>
#map = affine_map<(d0, d1) -> (0, 0)>
#map1 = affine_map<(d0, d1) -> (0, 0, 0)>
module attributes {stable_mosaic.version = 14 : i64} {
  func.func @_sc_scatter(%arg0: i32, %arg1: i32, %arg2: memref<10000x128xf32, #tpu.memory_space<hbm>>, %arg3: memref<2560x3x128xi32, #tpu.memory_space<hbm>>, %arg4: memref<2x10000x128xf32, #tpu.memory_space<hbm>>, %arg5: memref<1x3x128xi32, #tpu.memory_space<vmem>>, %arg6: memref<1x3x128xi32, #tpu.memory_space<vmem>>, %arg7: memref<128x128xf32, #tpu.memory_space<vmem>>, %arg8: memref<128x128xf32, #tpu.memory_space<vmem>>, %arg9: memref<10000x128xf32, #tpu.memory_space<vmem_shared>>, %arg10: memref<!tpu.dma_semaphore, #tpu.memory_space<semaphore_mem>>, %arg11: memref<!tpu.dma_semaphore, #tpu.memory_space<semaphore_mem>>, %arg12: memref<!tpu.dma_semaphore, #tpu.memory_space<semaphore_mem>>, %arg13: memref<!tpu.dma_semaphore, #tpu.memory_space<semaphore_mem>>) attributes {dimension_semantics = [#tpu.dimension_semantics<core_parallel>, #tpu.dimension_semantics<subcore_parallel>], iteration_bounds = array<i64: 2, 16>, scalar_prefetch = 0 : i64, scratch_operands = 9 : i64, tpu.core_type = #tpu.core_type<sc_vector_subcore>, window_params = [{transform_indices = #map}, {transform_indices = #map1}, {transform_indices = #map1}]} {
    %mul3A = arith.constant 16 : i32
    %mul3A_0 = arith.muli %arg0, %mul3A : i32
    %add3A = arith.addi %mul3A_0, %arg1 : i32
    %broadcast_in_dim3A = arith.constant 0.000000e+00 : f32
    %broadcast_in_dim3A_1 = vector.broadcast %broadcast_in_dim3A : f32 to vector<16xf32>
    %scan3A = arith.constant 0 : i32
    %scan3A_2 = arith.constant 0 : i32
    %scan3A_3 = arith.constant 128 : i32
    %scan3A_4 = arith.addi %scan3A_2, %scan3A_3 : i32
    %scan3A_5 = arith.constant 1 : i32
    scf.for %scan3A_69 = %scan3A_2 to %scan3A_4 step %scan3A_5  : i32 {
      %swap3A = arith.index_cast %scan3A_69 : i32 to index
      %swap3A_70 = arith.constant 0 : index
      %swap3A_71 = tpu.vector_load %arg7[%swap3A, %swap3A_70] {strides = array<i32>} : memref<128x128xf32, #tpu.memory_space<vmem>>, vector<16xf32>,
      tpu.vector_store %arg7[%swap3A, %swap3A_70], %broadcast_in_dim3A_1 {strides = array<i32>} : memref<128x128xf32, #tpu.memory_space<vmem>>, vector<16xf32>,
      %swap3A_72 = arith.index_cast %scan3A_69 : i32 to index
      %swap3A_73 = arith.constant 16 : index
      %swap3A_74 = tpu.vector_load %arg7[%swap3A_72, %swap3A_73] {strides = array<i32>} : memref<128x128xf32, #tpu.memory_space<vmem>>, vector<16xf32>,
      tpu.vector_store %arg7[%swap3A_72, %swap3A_73], %broadcast_in_dim3A_1 {strides = array<i32>} : memref<128x128xf32, #tpu.memory_space<vmem>>, vector<16xf32>,
      %swap3A_75 = arith.index_cast %scan3A_69 : i32 to index
      %swap3A_76 = arith.constant 32 : index
      %swap3A_77 = tpu.vector_load %arg7[%swap3A_75, %swap3A_76] {strides = array<i32>} : memref<128x128xf32, #tpu.memory_space<vmem>>, vector<16xf32>,
      tpu.vector_store %arg7[%swap3A_75, %swap3A_76], %broadcast_in_dim3A_1 {strides = array<i32>} : memref<128x128xf32, #tpu.memory_space<vmem>>, vector<16xf32>,
      %swap3A_78 = arith.index_cast %scan3A_69 : i32 to index
      %swap3A_79 = arith.constant 48 : index
      %swap3A_80 = tpu.vector_load %arg7[%swap3A_78, %swap3A_79] {strides = array<i32>} : memref<128x128xf32, #tpu.memory_space<vmem>>, vector<16xf32>,
      tpu.vector_store %arg7[%swap3A_78, %swap3A_79], %broadcast_in_dim3A_1 {strides = array<i32>} : memref<128x128xf32, #tpu.memory_space<vmem>>, vector<16xf32>,
      %swap3A_81 = arith.index_cast %scan3A_69 : i32 to index
      %swap3A_82 = arith.constant 64 : index
      %swap3A_83 = tpu.vector_load %arg7[%swap3A_81, %swap3A_82] {strides = array<i32>} : memref<128x128xf32, #tpu.memory_space<vmem>>, vector<16xf32>,
      tpu.vector_store %arg7[%swap3A_81, %swap3A_82], %broadcast_in_dim3A_1 {strides = array<i32>} : memref<128x128xf32, #tpu.memory_space<vmem>>, vector<16xf32>,
      %swap3A_84 = arith.index_cast %scan3A_69 : i32 to index
      %swap3A_85 = arith.constant 80 : index
      %swap3A_86 = tpu.vector_load %arg7[%swap3A_84, %swap3A_85] {strides = array<i32>} : memref<128x128xf32, #tpu.memory_space<vmem>>, vector<16xf32>,
      tpu.vector_store %arg7[%swap3A_84, %swap3A_85], %broadcast_in_dim3A_1 {strides = array<i32>} : memref<128x128xf32, #tpu.memory_space<vmem>>, vector<16xf32>,
      %swap3A_87 = arith.index_cast %scan3A_69 : i32 to index
      %swap3A_88 = arith.constant 96 : index
      %swap3A_89 = tpu.vector_load %arg7[%swap3A_87, %swap3A_88] {strides = array<i32>} : memref<128x128xf32, #tpu.memory_space<vmem>>, vector<16xf32>,
      tpu.vector_store %arg7[%swap3A_87, %swap3A_88], %broadcast_in_dim3A_1 {strides = array<i32>} : memref<128x128xf32, #tpu.memory_space<vmem>>, vector<16xf32>,
      %swap3A_90 = arith.index_cast %scan3A_69 : i32 to index
      %swap3A_91 = arith.constant 112 : index
      %swap3A_92 = tpu.vector_load %arg7[%swap3A_90, %swap3A_91] {strides = array<i32>} : memref<128x128xf32, #tpu.memory_space<vmem>>, vector<16xf32>,
      tpu.vector_store %arg7[%swap3A_90, %swap3A_91], %broadcast_in_dim3A_1 {strides = array<i32>} : memref<128x128xf32, #tpu.memory_space<vmem>>, vector<16xf32>,
    }
    %scan3A_6 = arith.constant 128 : i32
    %mul3A_7 = arith.constant 624 : i32
    %mul3A_8 = arith.muli %arg1, %mul3A_7 : i32
    %add3A_9 = arith.constant 0 : i32
    %add3A_10 = arith.addi %mul3A_8, %add3A_9 : i32
    "tpu.region"() ({
      %run_scoped3A = tpu.sem_alloc : memref<!tpu.dma_semaphore, #tpu.memory_space<semaphore_mem>>
      %dma_start3A_69 = arith.constant 0 : i32
      %dma_start3A_70 = tpu.memref_slice %arg9[%add3A_10, %dma_start3A_69] : memref<10000x128xf32, #tpu.memory_space<vmem_shared>> -> memref<128x128xf32, #tpu.memory_space<vmem_shared>>
      %dma_start3A_71 = arith.constant 0 : i32
      %dma_start3A_72 = tpu.memref_slice %arg9[%add3A_10, %dma_start3A_71] : memref<10000x128xf32, #tpu.memory_space<vmem_shared>> -> memref<128x128xf32, #tpu.memory_space<vmem_shared>>
      tpu.enqueue_dma source(%arg7 : memref<128x128xf32, #tpu.memory_space<vmem>>) target(%dma_start3A_72 : memref<128x128xf32, #tpu.memory_space<vmem_shared>>) target_semaphore(%run_scoped3A : memref<!tpu.dma_semaphore, #tpu.memory_space<semaphore_mem>>)
      %dma_wait3A_73 = arith.constant 0 : i32
      %dma_wait3A_74 = tpu.memref_slice %arg9[%add3A_10, %dma_wait3A_73] : memref<10000x128xf32, #tpu.memory_space<vmem_shared>> -> memref<128x128xf32, #tpu.memory_space<vmem_shared>>
      %dma_wait3A_75 = arith.constant 0 : i32
      %dma_wait3A_76 = tpu.memref_slice %arg9[%add3A_10, %dma_wait3A_75] : memref<10000x128xf32, #tpu.memory_space<vmem_shared>> -> memref<128x128xf32, #tpu.memory_space<vmem_shared>>
      tpu.wait_dma2 semaphore(%run_scoped3A : memref<!tpu.dma_semaphore, #tpu.memory_space<semaphore_mem>>) src(%arg7 : memref<128x128xf32, #tpu.memory_space<vmem>>) dst(%dma_wait3A_76 : memref<128x128xf32, #tpu.memory_space<vmem_shared>>)
      tpu.yield
    }) : () -> ()
    %add3A_11 = arith.constant 128 : i32
    %add3A_12 = arith.addi %mul3A_8, %add3A_11 : i32
    "tpu.region"() ({
      %run_scoped3A = tpu.sem_alloc : memref<!tpu.dma_semaphore, #tpu.memory_space<semaphore_mem>>
      %dma_start3A_69 = arith.constant 0 : i32
      %dma_start3A_70 = tpu.memref_slice %arg9[%add3A_12, %dma_start3A_69] : memref<10000x128xf32, #tpu.memory_space<vmem_shared>> -> memref<128x128xf32, #tpu.memory_space<vmem_shared>>
      %dma_start3A_71 = arith.constant 0 : i32
      %dma_start3A_72 = tpu.memref_slice %arg9[%add3A_12, %dma_start3A_71] : memref<10000x128xf32, #tpu.memory_space<vmem_shared>> -> memref<128x128xf32, #tpu.memory_space<vmem_shared>>
      tpu.enqueue_dma source(%arg7 : memref<128x128xf32, #tpu.memory_space<vmem>>) target(%dma_start3A_72 : memref<128x128xf32, #tpu.memory_space<vmem_shared>>) target_semaphore(%run_scoped3A : memref<!tpu.dma_semaphore, #tpu.memory_space<semaphore_mem>>)
      %dma_wait3A_73 = arith.constant 0 : i32
      %dma_wait3A_74 = tpu.memref_slice %arg9[%add3A_12, %dma_wait3A_73] : memref<10000x128xf32, #tpu.memory_space<vmem_shared>> -> memref<128x128xf32, #tpu.memory_space<vmem_shared>>
      %dma_wait3A_75 = arith.constant 0 : i32
      %dma_wait3A_76 = tpu.memref_slice %arg9[%add3A_12, %dma_wait3A_75] : memref<10000x128xf32, #tpu.memory_space<vmem_shared>> -> memref<128x128xf32, #tpu.memory_space<vmem_shared>>
      tpu.wait_dma2 semaphore(%run_scoped3A : memref<!tpu.dma_semaphore, #tpu.memory_space<semaphore_mem>>) src(%arg7 : memref<128x128xf32, #tpu.memory_space<vmem>>) dst(%dma_wait3A_76 : memref<128x128xf32, #tpu.memory_space<vmem_shared>>)
      tpu.yield
    }) : () -> ()
    %add3A_13 = arith.constant 256 : i32
    %add3A_14 = arith.addi %mul3A_8, %add3A_13 : i32
    "tpu.region"() ({
      %run_scoped3A = tpu.sem_alloc : memref<!tpu.dma_semaphore, #tpu.memory_space<semaphore_mem>>
      %dma_start3A_69 = arith.constant 0 : i32
      %dma_start3A_70 = tpu.memref_slice %arg9[%add3A_14, %dma_start3A_69] : memref<10000x128xf32, #tpu.memory_space<vmem_shared>> -> memref<128x128xf32, #tpu.memory_space<vmem_shared>>
      %dma_start3A_71 = arith.constant 0 : i32
      %dma_start3A_72 = tpu.memref_slice %arg9[%add3A_14, %dma_start3A_71] : memref<10000x128xf32, #tpu.memory_space<vmem_shared>> -> memref<128x128xf32, #tpu.memory_space<vmem_shared>>
      tpu.enqueue_dma source(%arg7 : memref<128x128xf32, #tpu.memory_space<vmem>>) target(%dma_start3A_72 : memref<128x128xf32, #tpu.memory_space<vmem_shared>>) target_semaphore(%run_scoped3A : memref<!tpu.dma_semaphore, #tpu.memory_space<semaphore_mem>>)
      %dma_wait3A_73 = arith.constant 0 : i32
      %dma_wait3A_74 = tpu.memref_slice %arg9[%add3A_14, %dma_wait3A_73] : memref<10000x128xf32, #tpu.memory_space<vmem_shared>> -> memref<128x128xf32, #tpu.memory_space<vmem_shared>>
      %dma_wait3A_75 = arith.constant 0 : i32
      %dma_wait3A_76 = tpu.memref_slice %arg9[%add3A_14, %dma_wait3A_75] : memref<10000x128xf32, #tpu.memory_space<vmem_shared>> -> memref<128x128xf32, #tpu.memory_space<vmem_shared>>
      tpu.wait_dma2 semaphore(%run_scoped3A : memref<!tpu.dma_semaphore, #tpu.memory_space<semaphore_mem>>) src(%arg7 : memref<128x128xf32, #tpu.memory_space<vmem>>) dst(%dma_wait3A_76 : memref<128x128xf32, #tpu.memory_space<vmem_shared>>)
      tpu.yield
    }) : () -> ()
    %add3A_15 = arith.constant 384 : i32
    %add3A_16 = arith.addi %mul3A_8, %add3A_15 : i32
    "tpu.region"() ({
      %run_scoped3A = tpu.sem_alloc : memref<!tpu.dma_semaphore, #tpu.memory_space<semaphore_mem>>
      %dma_start3A_69 = arith.constant 0 : i32
      %dma_start3A_70 = tpu.memref_slice %arg9[%add3A_16, %dma_start3A_69] : memref<10000x128xf32, #tpu.memory_space<vmem_shared>> -> memref<128x128xf32, #tpu.memory_space<vmem_shared>>
      %dma_start3A_71 = arith.constant 0 : i32
      %dma_start3A_72 = tpu.memref_slice %arg9[%add3A_16, %dma_start3A_71] : memref<10000x128xf32, #tpu.memory_space<vmem_shared>> -> memref<128x128xf32, #tpu.memory_space<vmem_shared>>
      tpu.enqueue_dma source(%arg7 : memref<128x128xf32, #tpu.memory_space<vmem>>) target(%dma_start3A_72 : memref<128x128xf32, #tpu.memory_space<vmem_shared>>) target_semaphore(%run_scoped3A : memref<!tpu.dma_semaphore, #tpu.memory_space<semaphore_mem>>)
      %dma_wait3A_73 = arith.constant 0 : i32
      %dma_wait3A_74 = tpu.memref_slice %arg9[%add3A_16, %dma_wait3A_73] : memref<10000x128xf32, #tpu.memory_space<vmem_shared>> -> memref<128x128xf32, #tpu.memory_space<vmem_shared>>
      %dma_wait3A_75 = arith.constant 0 : i32
      %dma_wait3A_76 = tpu.memref_slice %arg9[%add3A_16, %dma_wait3A_75] : memref<10000x128xf32, #tpu.memory_space<vmem_shared>> -> memref<128x128xf32, #tpu.memory_space<vmem_shared>>
      tpu.wait_dma2 semaphore(%run_scoped3A : memref<!tpu.dma_semaphore, #tpu.memory_space<semaphore_mem>>) src(%arg7 : memref<128x128xf32, #tpu.memory_space<vmem>>) dst(%dma_wait3A_76 : memref<128x128xf32, #tpu.memory_space<vmem_shared>>)
      tpu.yield
    }) : () -> ()
    %add3A_17 = arith.constant 512 : i32
    %add3A_18 = arith.addi %mul3A_8, %add3A_17 : i32
    "tpu.region"() ({
      %run_scoped3A = tpu.sem_alloc : memref<!tpu.dma_semaphore, #tpu.memory_space<semaphore_mem>>
      %dma_start3A_69 = arith.constant 0 : i32
      %dma_start3A_70 = arith.constant 0 : i32
      %dma_start3A_71 = tpu.memref_slice %arg7[%dma_start3A_69, %dma_start3A_70] : memref<128x128xf32, #tpu.memory_space<vmem>> -> memref<112x128xf32, #tpu.memory_space<vmem>>
      %dma_start3A_72 = arith.constant 0 : i32
      %dma_start3A_73 = tpu.memref_slice %arg9[%add3A_18, %dma_start3A_72] : memref<10000x128xf32, #tpu.memory_space<vmem_shared>> -> memref<112x128xf32, #tpu.memory_space<vmem_shared>>
      %dma_start3A_74 = arith.constant 0 : i32
      %dma_start3A_75 = tpu.memref_slice %arg9[%add3A_18, %dma_start3A_74] : memref<10000x128xf32, #tpu.memory_space<vmem_shared>> -> memref<112x128xf32, #tpu.memory_space<vmem_shared>>
      %dma_start3A_76 = arith.constant 0 : i32
      %dma_start3A_77 = arith.constant 0 : i32
      %dma_start3A_78 = tpu.memref_slice %arg7[%dma_start3A_76, %dma_start3A_77] : memref<128x128xf32, #tpu.memory_space<vmem>> -> memref<112x128xf32, #tpu.memory_space<vmem>>
      tpu.enqueue_dma source(%dma_start3A_78 : memref<112x128xf32, #tpu.memory_space<vmem>>) target(%dma_start3A_75 : memref<112x128xf32, #tpu.memory_space<vmem_shared>>) target_semaphore(%run_scoped3A : memref<!tpu.dma_semaphore, #tpu.memory_space<semaphore_mem>>)
      %dma_wait3A_79 = arith.constant 0 : i32
      %dma_wait3A_80 = arith.constant 0 : i32
      %dma_wait3A_81 = tpu.memref_slice %arg7[%dma_wait3A_79, %dma_wait3A_80] : memref<128x128xf32, #tpu.memory_space<vmem>> -> memref<112x128xf32, #tpu.memory_space<vmem>>
      %dma_wait3A_82 = arith.constant 0 : i32
      %dma_wait3A_83 = tpu.memref_slice %arg9[%add3A_18, %dma_wait3A_82] : memref<10000x128xf32, #tpu.memory_space<vmem_shared>> -> memref<112x128xf32, #tpu.memory_space<vmem_shared>>
      %dma_wait3A_84 = arith.constant 0 : i32
      %dma_wait3A_85 = tpu.memref_slice %arg9[%add3A_18, %dma_wait3A_84] : memref<10000x128xf32, #tpu.memory_space<vmem_shared>> -> memref<112x128xf32, #tpu.memory_space<vmem_shared>>
      %dma_wait3A_86 = arith.constant 0 : i32
      %dma_wait3A_87 = arith.constant 0 : i32
      %dma_wait3A_88 = tpu.memref_slice %arg7[%dma_wait3A_86, %dma_wait3A_87] : memref<128x128xf32, #tpu.memory_space<vmem>> -> memref<112x128xf32, #tpu.memory_space<vmem>>
      tpu.wait_dma2 semaphore(%run_scoped3A : memref<!tpu.dma_semaphore, #tpu.memory_space<semaphore_mem>>) src(%dma_wait3A_88 : memref<112x128xf32, #tpu.memory_space<vmem>>) dst(%dma_wait3A_85 : memref<112x128xf32, #tpu.memory_space<vmem_shared>>)
      tpu.yield
    }) : () -> ()
    %eq3A = arith.constant 15 : i32
    %eq3A_19 = arith.cmpi eq, %arg1, %eq3A : i32
    %convert_element_type3A = arith.extui %eq3A_19 : i1 to i32
    %cond3A = arith.constant 0 : i32
    %cond3A_20 = arith.cmpi ne, %convert_element_type3A, %cond3A : i32
    scf.if %cond3A_20 {
      "tpu.region"() ({
        %run_scoped3A = tpu.sem_alloc : memref<!tpu.dma_semaphore, #tpu.memory_space<semaphore_mem>>
        %dma_start3A_69 = arith.constant 0 : i32
        %dma_start3A_70 = arith.constant 0 : i32
        %dma_start3A_71 = tpu.memref_slice %arg7[%dma_start3A_69, %dma_start3A_70] : memref<128x128xf32, #tpu.memory_space<vmem>> -> memref<16x128xf32, #tpu.memory_space<vmem>>
        %dma_start3A_72 = arith.constant 9984 : i32
        %dma_start3A_73 = arith.constant 0 : i32
        %dma_start3A_74 = tpu.memref_slice %arg9[%dma_start3A_72, %dma_start3A_73] : memref<10000x128xf32, #tpu.memory_space<vmem_shared>> -> memref<16x128xf32, #tpu.memory_space<vmem_shared>>
        %dma_start3A_75 = arith.constant 9984 : i32
        %dma_start3A_76 = arith.constant 0 : i32
        %dma_start3A_77 = tpu.memref_slice %arg9[%dma_start3A_75, %dma_start3A_76] : memref<10000x128xf32, #tpu.memory_space<vmem_shared>> -> memref<16x128xf32, #tpu.memory_space<vmem_shared>>
        %dma_start3A_78 = arith.constant 0 : i32
        %dma_start3A_79 = arith.constant 0 : i32
        %dma_start3A_80 = tpu.memref_slice %arg7[%dma_start3A_78, %dma_start3A_79] : memref<128x128xf32, #tpu.memory_space<vmem>> -> memref<16x128xf32, #tpu.memory_space<vmem>>
        tpu.enqueue_dma source(%dma_start3A_80 : memref<16x128xf32, #tpu.memory_space<vmem>>) target(%dma_start3A_77 : memref<16x128xf32, #tpu.memory_space<vmem_shared>>) target_semaphore(%run_scoped3A : memref<!tpu.dma_semaphore, #tpu.memory_space<semaphore_mem>>)
        %dma_wait3A_81 = arith.constant 0 : i32
        %dma_wait3A_82 = arith.constant 0 : i32
        %dma_wait3A_83 = tpu.memref_slice %arg7[%dma_wait3A_81, %dma_wait3A_82] : memref<128x128xf32, #tpu.memory_space<vmem>> -> memref<16x128xf32, #tpu.memory_space<vmem>>
        %dma_wait3A_84 = arith.constant 9984 : i32
        %dma_wait3A_85 = arith.constant 0 : i32
        %dma_wait3A_86 = tpu.memref_slice %arg9[%dma_wait3A_84, %dma_wait3A_85] : memref<10000x128xf32, #tpu.memory_space<vmem_shared>> -> memref<16x128xf32, #tpu.memory_space<vmem_shared>>
        %dma_wait3A_87 = arith.constant 9984 : i32
        %dma_wait3A_88 = arith.constant 0 : i32
        %dma_wait3A_89 = tpu.memref_slice %arg9[%dma_wait3A_87, %dma_wait3A_88] : memref<10000x128xf32, #tpu.memory_space<vmem_shared>> -> memref<16x128xf32, #tpu.memory_space<vmem_shared>>
        %dma_wait3A_90 = arith.constant 0 : i32
        %dma_wait3A_91 = arith.constant 0 : i32
        %dma_wait3A_92 = tpu.memref_slice %arg7[%dma_wait3A_90, %dma_wait3A_91] : memref<128x128xf32, #tpu.memory_space<vmem>> -> memref<16x128xf32, #tpu.memory_space<vmem>>
        tpu.wait_dma2 semaphore(%run_scoped3A : memref<!tpu.dma_semaphore, #tpu.memory_space<semaphore_mem>>) src(%dma_wait3A_92 : memref<16x128xf32, #tpu.memory_space<vmem>>) dst(%dma_wait3A_89 : memref<16x128xf32, #tpu.memory_space<vmem_shared>>)
        tpu.yield
      }) : () -> ()
    } else {
    }
    %barrier3A = arith.constant 0 : index
    tpu.barrier barrier_id(%barrier3A)
    %mul3A_21 = arith.constant 80 : i32
    %mul3A_22 = arith.muli %add3A, %mul3A_21 : i32
    %broadcast_in_dim3A_23 = arith.constant 0 : i32
    %broadcast_in_dim3A_24 = vector.broadcast %broadcast_in_dim3A_23 : i32 to vector<16xi32>
    %broadcast_in_dim3A_25 = arith.constant 2 : i32
    %broadcast_in_dim3A_26 = vector.broadcast %broadcast_in_dim3A_25 : i32 to vector<16xi32>
    %add3A_27 = arith.constant 0 : i32
    %add3A_28 = arith.addi %mul3A_22, %add3A_27 : i32
    %dma_start3A = arith.constant 0 : i32
    %dma_start3A_29 = arith.constant 0 : i32
    %dma_start3A_30 = tpu.memref_slice %arg3[%add3A_28, %dma_start3A, %dma_start3A_29] : memref<2560x3x128xi32, #tpu.memory_space<hbm>> -> memref<1x3x128xi32, #tpu.memory_space<hbm>>
    %dma_start3A_31 = arith.constant 0 : i32
    %dma_start3A_32 = arith.constant 0 : i32
    %dma_start3A_33 = tpu.memref_slice %arg3[%add3A_28, %dma_start3A_31, %dma_start3A_32] : memref<2560x3x128xi32, #tpu.memory_space<hbm>> -> memref<1x3x128xi32, #tpu.memory_space<hbm>>
    tpu.enqueue_dma source(%dma_start3A_33 : memref<1x3x128xi32, #tpu.memory_space<hbm>>) target(%arg5 : memref<1x3x128xi32, #tpu.memory_space<vmem>>) target_semaphore(%arg10 : memref<!tpu.dma_semaphore, #tpu.memory_space<semaphore_mem>>)
    %add3A_34 = arith.constant 0 : i32
    %add3A_35 = arith.addi %mul3A_22, %add3A_34 : i32
    %dma_wait3A = arith.constant 0 : i32
    %dma_wait3A_36 = arith.constant 0 : i32
    %dma_wait3A_37 = tpu.memref_slice %arg3[%add3A_35, %dma_wait3A, %dma_wait3A_36] : memref<2560x3x128xi32, #tpu.memory_space<hbm>> -> memref<1x3x128xi32, #tpu.memory_space<hbm>>
    %dma_wait3A_38 = arith.constant 0 : i32
    %dma_wait3A_39 = arith.constant 0 : i32
    %dma_wait3A_40 = tpu.memref_slice %arg3[%add3A_35, %dma_wait3A_38, %dma_wait3A_39] : memref<2560x3x128xi32, #tpu.memory_space<hbm>> -> memref<1x3x128xi32, #tpu.memory_space<hbm>>
    tpu.wait_dma2 semaphore(%arg10 : memref<!tpu.dma_semaphore, #tpu.memory_space<semaphore_mem>>) src(%dma_wait3A_40 : memref<1x3x128xi32, #tpu.memory_space<hbm>>) dst(%arg5 : memref<1x3x128xi32, #tpu.memory_space<vmem>>)
    %dma_start3A_41 = arith.constant 0 : i32
    %dma_start3A_42 = arith.constant 0 : i32
    %dma_start3A_43 = arith.constant 0 : i32
    %dma_start3A_44 = tpu.memref_slice %arg5[%dma_start3A_41, %dma_start3A_42, %dma_start3A_43] : memref<1x3x128xi32, #tpu.memory_space<vmem>> -> memref<1x1x128xi32, #tpu.memory_space<vmem>>
    %dma_start3A_45 = tpu.memref_squeeze %dma_start3A_44 : memref<1x1x128xi32, #tpu.memory_space<vmem>> -> memref<128xi32, #tpu.memory_space<vmem>>
    %dma_start3A_46 = arith.constant 0 : i32
    %dma_start3A_47 = arith.constant 0 : i32
    %dma_start3A_48 = tpu.memref_slice %arg2[%dma_start3A_46, %dma_start3A_47] : memref<10000x128xf32, #tpu.memory_space<hbm>> -> memref<10000x128xf32, #tpu.memory_space<hbm>>
    tpu.enqueue_indirect_dma source(%dma_start3A_48 : memref<10000x128xf32, #tpu.memory_space<hbm>>) target(%arg7 : memref<128x128xf32, #tpu.memory_space<vmem>>) offsets(%dma_start3A_45 : memref<128xi32, #tpu.memory_space<vmem>>) semaphore(%arg12 : memref<!tpu.dma_semaphore, #tpu.memory_space<semaphore_mem>>)
    %add3A_49 = arith.constant 1 : i32
    %add3A_50 = arith.addi %mul3A_22, %add3A_49 : i32
    %dma_start3A_51 = arith.constant 0 : i32
    %dma_start3A_52 = arith.constant 0 : i32
    %dma_start3A_53 = tpu.memref_slice %arg3[%add3A_50, %dma_start3A_51, %dma_start3A_52] : memref<2560x3x128xi32, #tpu.memory_space<hbm>> -> memref<1x3x128xi32, #tpu.memory_space<hbm>>
    %dma_start3A_54 = arith.constant 0 : i32
    %dma_start3A_55 = arith.constant 0 : i32
    %dma_start3A_56 = tpu.memref_slice %arg3[%add3A_50, %dma_start3A_54, %dma_start3A_55] : memref<2560x3x128xi32, #tpu.memory_space<hbm>> -> memref<1x3x128xi32, #tpu.memory_space<hbm>>
    tpu.enqueue_dma source(%dma_start3A_56 : memref<1x3x128xi32, #tpu.memory_space<hbm>>) target(%arg6 : memref<1x3x128xi32, #tpu.memory_space<vmem>>) target_semaphore(%arg11 : memref<!tpu.dma_semaphore, #tpu.memory_space<semaphore_mem>>)
    %scan3A_57 = arith.constant 0 : i32
    %scan3A_58 = arith.constant 0 : i32
    %scan3A_59 = arith.constant 40 : i32
    %scan3A_60 = arith.addi %scan3A_58, %scan3A_59 : i32
    %scan3A_61 = arith.constant 1 : i32
    scf.for %scan3A_69 = %scan3A_58 to %scan3A_60 step %scan3A_61  : i32 {
      %mul3A_70 = arith.constant 2 : i32
      %mul3A_71 = arith.muli %mul3A_70, %scan3A_69 : i32
      %add3A_72 = arith.constant 1 : i32
      %add3A_73 = arith.addi %mul3A_71, %add3A_72 : i32
      %add3A_74 = arith.addi %mul3A_22, %add3A_73 : i32
      %dma_wait3A_75 = arith.constant 0 : i32
      %dma_wait3A_76 = arith.constant 0 : i32
      %dma_wait3A_77 = tpu.memref_slice %arg3[%add3A_74, %dma_wait3A_75, %dma_wait3A_76] : memref<2560x3x128xi32, #tpu.memory_space<hbm>> -> memref<1x3x128xi32, #tpu.memory_space<hbm>>
      %dma_wait3A_78 = arith.constant 0 : i32
      %dma_wait3A_79 = arith.constant 0 : i32
      %dma_wait3A_80 = tpu.memref_slice %arg3[%add3A_74, %dma_wait3A_78, %dma_wait3A_79] : memref<2560x3x128xi32, #tpu.memory_space<hbm>> -> memref<1x3x128xi32, #tpu.memory_space<hbm>>
      tpu.wait_dma2 semaphore(%arg11 : memref<!tpu.dma_semaphore, #tpu.memory_space<semaphore_mem>>) src(%dma_wait3A_80 : memref<1x3x128xi32, #tpu.memory_space<hbm>>) dst(%arg6 : memref<1x3x128xi32, #tpu.memory_space<vmem>>)
      %dma_start3A_81 = arith.constant 0 : i32
      %dma_start3A_82 = arith.constant 0 : i32
      %dma_start3A_83 = arith.constant 0 : i32
      %dma_start3A_84 = tpu.memref_slice %arg6[%dma_start3A_81, %dma_start3A_82, %dma_start3A_83] : memref<1x3x128xi32, #tpu.memory_space<vmem>> -> memref<1x1x128xi32, #tpu.memory_space<vmem>>
      %dma_start3A_85 = tpu.memref_squeeze %dma_start3A_84 : memref<1x1x128xi32, #tpu.memory_space<vmem>> -> memref<128xi32, #tpu.memory_space<vmem>>
      %dma_start3A_86 = arith.constant 0 : i32
      %dma_start3A_87 = arith.constant 0 : i32
      %dma_start3A_88 = tpu.memref_slice %arg2[%dma_start3A_86, %dma_start3A_87] : memref<10000x128xf32, #tpu.memory_space<hbm>> -> memref<10000x128xf32, #tpu.memory_space<hbm>>
      tpu.enqueue_indirect_dma source(%dma_start3A_88 : memref<10000x128xf32, #tpu.memory_space<hbm>>) target(%arg8 : memref<128x128xf32, #tpu.memory_space<vmem>>) offsets(%dma_start3A_85 : memref<128xi32, #tpu.memory_space<vmem>>) semaphore(%arg13 : memref<!tpu.dma_semaphore, #tpu.memory_space<semaphore_mem>>)
      %dma_wait3A_89 = arith.constant 0 : i32
      %dma_wait3A_90 = arith.constant 0 : i32
      %dma_wait3A_91 = arith.constant 0 : i32
      %dma_wait3A_92 = tpu.memref_slice %arg5[%dma_wait3A_89, %dma_wait3A_90, %dma_wait3A_91] : memref<1x3x128xi32, #tpu.memory_space<vmem>> -> memref<1x1x128xi32, #tpu.memory_space<vmem>>
      %dma_wait3A_93 = tpu.memref_squeeze %dma_wait3A_92 : memref<1x1x128xi32, #tpu.memory_space<vmem>> -> memref<128xi32, #tpu.memory_space<vmem>>
      %dma_wait3A_94 = arith.constant 0 : i32
      %dma_wait3A_95 = arith.constant 0 : i32
      %dma_wait3A_96 = tpu.memref_slice %arg2[%dma_wait3A_94, %dma_wait3A_95] : memref<10000x128xf32, #tpu.memory_space<hbm>> -> memref<10000x128xf32, #tpu.memory_space<hbm>>
      tpu.wait_indirect_dma semaphore(%arg12 : memref<!tpu.dma_semaphore, #tpu.memory_space<semaphore_mem>>) src(%dma_wait3A_96 : memref<10000x128xf32, #tpu.memory_space<hbm>>) dst(%arg7 : memref<128x128xf32, #tpu.memory_space<vmem>>)
      %parallel_loop3A = arith.constant 0 : i32
      %parallel_loop3A_97 = arith.constant 128 : i32
      %parallel_loop3A_98 = arith.constant 1 : i32
      scf.for %parallel_loop3A_126 = %parallel_loop3A to %parallel_loop3A_97 step %parallel_loop3A_98  : i32 {
        %parallel_loop3A_127 = vector.broadcast %parallel_loop3A_126 : i32 to vector<16xi32>
        %parallel_loop3A_128 = tpu.vector_load_idx %arg5[%broadcast_in_dim3A_24, %broadcast_in_dim3A_26, %parallel_loop3A_127] : memref<1x3x128xi32, #tpu.memory_space<vmem>>[vector<16xi32>, vector<16xi32>, vector<16xi32>], vector<16xi32>,
        %parallel_loop3A_129 = vector.bitcast %parallel_loop3A_128 : vector<16xi32> to vector<16xf32>
        %parallel_loop3A_130 = arith.index_cast %parallel_loop3A_126 : i32 to index
        %parallel_loop3A_131 = arith.constant 0 : index
        %parallel_loop3A_132 = tpu.vector_load %arg7[%parallel_loop3A_130, %parallel_loop3A_131] {strides = array<i32>} : memref<128x128xf32, #tpu.memory_space<vmem>>, vector<16xf32>,
        %parallel_loop3A_133 = arith.mulf %parallel_loop3A_132, %parallel_loop3A_129 : vector<16xf32>
        %parallel_loop3A_134 = arith.index_cast %parallel_loop3A_126 : i32 to index
        %parallel_loop3A_135 = arith.constant 0 : index
        %parallel_loop3A_136 = tpu.vector_load %arg7[%parallel_loop3A_134, %parallel_loop3A_135] {strides = array<i32>} : memref<128x128xf32, #tpu.memory_space<vmem>>, vector<16xf32>,
        tpu.vector_store %arg7[%parallel_loop3A_134, %parallel_loop3A_135], %parallel_loop3A_133 {strides = array<i32>} : memref<128x128xf32, #tpu.memory_space<vmem>>, vector<16xf32>,
        %parallel_loop3A_137 = arith.index_cast %parallel_loop3A_126 : i32 to index
        %parallel_loop3A_138 = arith.constant 16 : index
        %parallel_loop3A_139 = tpu.vector_load %arg7[%parallel_loop3A_137, %parallel_loop3A_138] {strides = array<i32>} : memref<128x128xf32, #tpu.memory_space<vmem>>, vector<16xf32>,
        %parallel_loop3A_140 = arith.mulf %parallel_loop3A_139, %parallel_loop3A_129 : vector<16xf32>
        %parallel_loop3A_141 = arith.index_cast %parallel_loop3A_126 : i32 to index
        %parallel_loop3A_142 = arith.constant 16 : index
        %parallel_loop3A_143 = tpu.vector_load %arg7[%parallel_loop3A_141, %parallel_loop3A_142] {strides = array<i32>} : memref<128x128xf32, #tpu.memory_space<vmem>>, vector<16xf32>,
        tpu.vector_store %arg7[%parallel_loop3A_141, %parallel_loop3A_142], %parallel_loop3A_140 {strides = array<i32>} : memref<128x128xf32, #tpu.memory_space<vmem>>, vector<16xf32>,
        %parallel_loop3A_144 = arith.index_cast %parallel_loop3A_126 : i32 to index
        %parallel_loop3A_145 = arith.constant 32 : index
        %parallel_loop3A_146 = tpu.vector_load %arg7[%parallel_loop3A_144, %parallel_loop3A_145] {strides = array<i32>} : memref<128x128xf32, #tpu.memory_space<vmem>>, vector<16xf32>,
        %parallel_loop3A_147 = arith.mulf %parallel_loop3A_146, %parallel_loop3A_129 : vector<16xf32>
        %parallel_loop3A_148 = arith.index_cast %parallel_loop3A_126 : i32 to index
        %parallel_loop3A_149 = arith.constant 32 : index
        %parallel_loop3A_150 = tpu.vector_load %arg7[%parallel_loop3A_148, %parallel_loop3A_149] {strides = array<i32>} : memref<128x128xf32, #tpu.memory_space<vmem>>, vector<16xf32>,
        tpu.vector_store %arg7[%parallel_loop3A_148, %parallel_loop3A_149], %parallel_loop3A_147 {strides = array<i32>} : memref<128x128xf32, #tpu.memory_space<vmem>>, vector<16xf32>,
        %parallel_loop3A_151 = arith.index_cast %parallel_loop3A_126 : i32 to index
        %parallel_loop3A_152 = arith.constant 48 : index
        %parallel_loop3A_153 = tpu.vector_load %arg7[%parallel_loop3A_151, %parallel_loop3A_152] {strides = array<i32>} : memref<128x128xf32, #tpu.memory_space<vmem>>, vector<16xf32>,
        %parallel_loop3A_154 = arith.mulf %parallel_loop3A_153, %parallel_loop3A_129 : vector<16xf32>
        %parallel_loop3A_155 = arith.index_cast %parallel_loop3A_126 : i32 to index
        %parallel_loop3A_156 = arith.constant 48 : index
        %parallel_loop3A_157 = tpu.vector_load %arg7[%parallel_loop3A_155, %parallel_loop3A_156] {strides = array<i32>} : memref<128x128xf32, #tpu.memory_space<vmem>>, vector<16xf32>,
        tpu.vector_store %arg7[%parallel_loop3A_155, %parallel_loop3A_156], %parallel_loop3A_154 {strides = array<i32>} : memref<128x128xf32, #tpu.memory_space<vmem>>, vector<16xf32>,
        %parallel_loop3A_158 = arith.index_cast %parallel_loop3A_126 : i32 to index
        %parallel_loop3A_159 = arith.constant 64 : index
        %parallel_loop3A_160 = tpu.vector_load %arg7[%parallel_loop3A_158, %parallel_loop3A_159] {strides = array<i32>} : memref<128x128xf32, #tpu.memory_space<vmem>>, vector<16xf32>,
        %parallel_loop3A_161 = arith.mulf %parallel_loop3A_160, %parallel_loop3A_129 : vector<16xf32>
        %parallel_loop3A_162 = arith.index_cast %parallel_loop3A_126 : i32 to index
        %parallel_loop3A_163 = arith.constant 64 : index
        %parallel_loop3A_164 = tpu.vector_load %arg7[%parallel_loop3A_162, %parallel_loop3A_163] {strides = array<i32>} : memref<128x128xf32, #tpu.memory_space<vmem>>, vector<16xf32>,
        tpu.vector_store %arg7[%parallel_loop3A_162, %parallel_loop3A_163], %parallel_loop3A_161 {strides = array<i32>} : memref<128x128xf32, #tpu.memory_space<vmem>>, vector<16xf32>,
        %parallel_loop3A_165 = arith.index_cast %parallel_loop3A_126 : i32 to index
        %parallel_loop3A_166 = arith.constant 80 : index
        %parallel_loop3A_167 = tpu.vector_load %arg7[%parallel_loop3A_165, %parallel_loop3A_166] {strides = array<i32>} : memref<128x128xf32, #tpu.memory_space<vmem>>, vector<16xf32>,
        %parallel_loop3A_168 = arith.mulf %parallel_loop3A_167, %parallel_loop3A_129 : vector<16xf32>
        %parallel_loop3A_169 = arith.index_cast %parallel_loop3A_126 : i32 to index
        %parallel_loop3A_170 = arith.constant 80 : index
        %parallel_loop3A_171 = tpu.vector_load %arg7[%parallel_loop3A_169, %parallel_loop3A_170] {strides = array<i32>} : memref<128x128xf32, #tpu.memory_space<vmem>>, vector<16xf32>,
        tpu.vector_store %arg7[%parallel_loop3A_169, %parallel_loop3A_170], %parallel_loop3A_168 {strides = array<i32>} : memref<128x128xf32, #tpu.memory_space<vmem>>, vector<16xf32>,
        %parallel_loop3A_172 = arith.index_cast %parallel_loop3A_126 : i32 to index
        %parallel_loop3A_173 = arith.constant 96 : index
        %parallel_loop3A_174 = tpu.vector_load %arg7[%parallel_loop3A_172, %parallel_loop3A_173] {strides = array<i32>} : memref<128x128xf32, #tpu.memory_space<vmem>>, vector<16xf32>,
        %parallel_loop3A_175 = arith.mulf %parallel_loop3A_174, %parallel_loop3A_129 : vector<16xf32>
        %parallel_loop3A_176 = arith.index_cast %parallel_loop3A_126 : i32 to index
        %parallel_loop3A_177 = arith.constant 96 : index
        %parallel_loop3A_178 = tpu.vector_load %arg7[%parallel_loop3A_176, %parallel_loop3A_177] {strides = array<i32>} : memref<128x128xf32, #tpu.memory_space<vmem>>, vector<16xf32>,
        tpu.vector_store %arg7[%parallel_loop3A_176, %parallel_loop3A_177], %parallel_loop3A_175 {strides = array<i32>} : memref<128x128xf32, #tpu.memory_space<vmem>>, vector<16xf32>,
        %parallel_loop3A_179 = arith.index_cast %parallel_loop3A_126 : i32 to index
        %parallel_loop3A_180 = arith.constant 112 : index
        %parallel_loop3A_181 = tpu.vector_load %arg7[%parallel_loop3A_179, %parallel_loop3A_180] {strides = array<i32>} : memref<128x128xf32, #tpu.memory_space<vmem>>, vector<16xf32>,
        %parallel_loop3A_182 = arith.mulf %parallel_loop3A_181, %parallel_loop3A_129 : vector<16xf32>
        %parallel_loop3A_183 = arith.index_cast %parallel_loop3A_126 : i32 to index
        %parallel_loop3A_184 = arith.constant 112 : index
        %parallel_loop3A_185 = tpu.vector_load %arg7[%parallel_loop3A_183, %parallel_loop3A_184] {strides = array<i32>} : memref<128x128xf32, #tpu.memory_space<vmem>>, vector<16xf32>,
        tpu.vector_store %arg7[%parallel_loop3A_183, %parallel_loop3A_184], %parallel_loop3A_182 {strides = array<i32>} : memref<128x128xf32, #tpu.memory_space<vmem>>, vector<16xf32>,
      } {sc.loop_unroll_factor = 8 : i64, sc.parallel_access}
      %run_scoped3A = arith.constant 0 : i32
      %run_scoped3A_99 = arith.constant 1 : i32
      "tpu.region"() ({
        %run_scoped3A_126 = tpu.sem_alloc : memref<!tpu.dma_semaphore, #tpu.memory_space<semaphore_mem>>
        %dma_start3A_127 = arith.constant 0 : i32
        %dma_start3A_128 = tpu.memref_slice %arg5[%run_scoped3A, %run_scoped3A_99, %dma_start3A_127] : memref<1x3x128xi32, #tpu.memory_space<vmem>> -> memref<1x1x128xi32, #tpu.memory_space<vmem>>
        %dma_start3A_129 = tpu.memref_squeeze %dma_start3A_128 : memref<1x1x128xi32, #tpu.memory_space<vmem>> -> memref<128xi32, #tpu.memory_space<vmem>>
        %dma_start3A_130 = arith.constant 0 : i32
        %dma_start3A_131 = arith.constant 0 : i32
        %dma_start3A_132 = tpu.memref_slice %arg9[%dma_start3A_130, %dma_start3A_131] : memref<10000x128xf32, #tpu.memory_space<vmem_shared>> -> memref<10000x128xf32, #tpu.memory_space<vmem_shared>>
        tpu.enqueue_indirect_dma source(%arg7 : memref<128x128xf32, #tpu.memory_space<vmem>>) target(%dma_start3A_132 : memref<10000x128xf32, #tpu.memory_space<vmem_shared>>) offsets(%dma_start3A_129 : memref<128xi32, #tpu.memory_space<vmem>>) semaphore(%run_scoped3A_126 : memref<!tpu.dma_semaphore, #tpu.memory_space<semaphore_mem>>) {add = true}
        %dma_wait3A_133 = arith.constant 0 : i32
        %dma_wait3A_134 = tpu.memref_slice %arg5[%run_scoped3A, %run_scoped3A_99, %dma_wait3A_133] : memref<1x3x128xi32, #tpu.memory_space<vmem>> -> memref<1x1x128xi32, #tpu.memory_space<vmem>>
        %dma_wait3A_135 = tpu.memref_squeeze %dma_wait3A_134 : memref<1x1x128xi32, #tpu.memory_space<vmem>> -> memref<128xi32, #tpu.memory_space<vmem>>
        %dma_wait3A_136 = arith.constant 0 : i32
        %dma_wait3A_137 = arith.constant 0 : i32
        %dma_wait3A_138 = tpu.memref_slice %arg9[%dma_wait3A_136, %dma_wait3A_137] : memref<10000x128xf32, #tpu.memory_space<vmem_shared>> -> memref<10000x128xf32, #tpu.memory_space<vmem_shared>>
        tpu.wait_indirect_dma semaphore(%run_scoped3A_126 : memref<!tpu.dma_semaphore, #tpu.memory_space<semaphore_mem>>) src(%arg7 : memref<128x128xf32, #tpu.memory_space<vmem>>) dst(%dma_wait3A_138 : memref<10000x128xf32, #tpu.memory_space<vmem_shared>>)
        tpu.yield
      }) : () -> ()
      %add3A_100 = arith.constant 2 : i32
      %add3A_101 = arith.addi %mul3A_71, %add3A_100 : i32
      %lt3A = arith.constant 80 : i32
      %lt3A_102 = arith.cmpi slt, %add3A_101, %lt3A : i32
      %convert_element_type3A_103 = arith.extui %lt3A_102 : i1 to i32
      %cond3A_104 = arith.constant 0 : i32
      %cond3A_105 = arith.cmpi ne, %convert_element_type3A_103, %cond3A_104 : i32
      scf.if %cond3A_105 {
        %add3A_126 = arith.constant 2 : i32
        %add3A_127 = arith.addi %mul3A_71, %add3A_126 : i32
        %add3A_128 = arith.addi %mul3A_22, %add3A_127 : i32
        %dma_start3A_129 = arith.constant 0 : i32
        %dma_start3A_130 = arith.constant 0 : i32
        %dma_start3A_131 = tpu.memref_slice %arg3[%add3A_128, %dma_start3A_129, %dma_start3A_130] : memref<2560x3x128xi32, #tpu.memory_space<hbm>> -> memref<1x3x128xi32, #tpu.memory_space<hbm>>
        %dma_start3A_132 = arith.constant 0 : i32
        %dma_start3A_133 = arith.constant 0 : i32
        %dma_start3A_134 = tpu.memref_slice %arg3[%add3A_128, %dma_start3A_132, %dma_start3A_133] : memref<2560x3x128xi32, #tpu.memory_space<hbm>> -> memref<1x3x128xi32, #tpu.memory_space<hbm>>
        tpu.enqueue_dma source(%dma_start3A_134 : memref<1x3x128xi32, #tpu.memory_space<hbm>>) target(%arg5 : memref<1x3x128xi32, #tpu.memory_space<vmem>>) target_semaphore(%arg10 : memref<!tpu.dma_semaphore, #tpu.memory_space<semaphore_mem>>)
        %add3A_135 = arith.constant 2 : i32
        %add3A_136 = arith.addi %mul3A_71, %add3A_135 : i32
        %add3A_137 = arith.addi %mul3A_22, %add3A_136 : i32
        %dma_wait3A_138 = arith.constant 0 : i32
        %dma_wait3A_139 = arith.constant 0 : i32
        %dma_wait3A_140 = tpu.memref_slice %arg3[%add3A_137, %dma_wait3A_138, %dma_wait3A_139] : memref<2560x3x128xi32, #tpu.memory_space<hbm>> -> memref<1x3x128xi32, #tpu.memory_space<hbm>>
        %dma_wait3A_141 = arith.constant 0 : i32
        %dma_wait3A_142 = arith.constant 0 : i32
        %dma_wait3A_143 = tpu.memref_slice %arg3[%add3A_137, %dma_wait3A_141, %dma_wait3A_142] : memref<2560x3x128xi32, #tpu.memory_space<hbm>> -> memref<1x3x128xi32, #tpu.memory_space<hbm>>
        tpu.wait_dma2 semaphore(%arg10 : memref<!tpu.dma_semaphore, #tpu.memory_space<semaphore_mem>>) src(%dma_wait3A_143 : memref<1x3x128xi32, #tpu.memory_space<hbm>>) dst(%arg5 : memref<1x3x128xi32, #tpu.memory_space<vmem>>)
        %dma_start3A_144 = arith.constant 0 : i32
        %dma_start3A_145 = arith.constant 0 : i32
        %dma_start3A_146 = arith.constant 0 : i32
        %dma_start3A_147 = tpu.memref_slice %arg5[%dma_start3A_144, %dma_start3A_145, %dma_start3A_146] : memref<1x3x128xi32, #tpu.memory_space<vmem>> -> memref<1x1x128xi32, #tpu.memory_space<vmem>>
        %dma_start3A_148 = tpu.memref_squeeze %dma_start3A_147 : memref<1x1x128xi32, #tpu.memory_space<vmem>> -> memref<128xi32, #tpu.memory_space<vmem>>
        %dma_start3A_149 = arith.constant 0 : i32
        %dma_start3A_150 = arith.constant 0 : i32
        %dma_start3A_151 = tpu.memref_slice %arg2[%dma_start3A_149, %dma_start3A_150] : memref<10000x128xf32, #tpu.memory_space<hbm>> -> memref<10000x128xf32, #tpu.memory_space<hbm>>
        tpu.enqueue_indirect_dma source(%dma_start3A_151 : memref<10000x128xf32, #tpu.memory_space<hbm>>) target(%arg7 : memref<128x128xf32, #tpu.memory_space<vmem>>) offsets(%dma_start3A_148 : memref<128xi32, #tpu.memory_space<vmem>>) semaphore(%arg12 : memref<!tpu.dma_semaphore, #tpu.memory_space<semaphore_mem>>)
      } else {
      }
      %dma_wait3A_106 = arith.constant 0 : i32
      %dma_wait3A_107 = arith.constant 0 : i32
      %dma_wait3A_108 = arith.constant 0 : i32
      %dma_wait3A_109 = tpu.memref_slice %arg6[%dma_wait3A_106, %dma_wait3A_107, %dma_wait3A_108] : memref<1x3x128xi32, #tpu.memory_space<vmem>> -> memref<1x1x128xi32, #tpu.memory_space<vmem>>
      %dma_wait3A_110 = tpu.memref_squeeze %dma_wait3A_109 : memref<1x1x128xi32, #tpu.memory_space<vmem>> -> memref<128xi32, #tpu.memory_space<vmem>>
      %dma_wait3A_111 = arith.constant 0 : i32
      %dma_wait3A_112 = arith.constant 0 : i32
      %dma_wait3A_113 = tpu.memref_slice %arg2[%dma_wait3A_111, %dma_wait3A_112] : memref<10000x128xf32, #tpu.memory_space<hbm>> -> memref<10000x128xf32, #tpu.memory_space<hbm>>
      tpu.wait_indirect_dma semaphore(%arg13 : memref<!tpu.dma_semaphore, #tpu.memory_space<semaphore_mem>>) src(%dma_wait3A_113 : memref<10000x128xf32, #tpu.memory_space<hbm>>) dst(%arg8 : memref<128x128xf32, #tpu.memory_space<vmem>>)
      %parallel_loop3A_114 = arith.constant 0 : i32
      %parallel_loop3A_115 = arith.constant 128 : i32
      %parallel_loop3A_116 = arith.constant 1 : i32
      scf.for %parallel_loop3A_126 = %parallel_loop3A_114 to %parallel_loop3A_115 step %parallel_loop3A_116  : i32 {
        %parallel_loop3A_127 = vector.broadcast %parallel_loop3A_126 : i32 to vector<16xi32>
        %parallel_loop3A_128 = tpu.vector_load_idx %arg6[%broadcast_in_dim3A_24, %broadcast_in_dim3A_26, %parallel_loop3A_127] : memref<1x3x128xi32, #tpu.memory_space<vmem>>[vector<16xi32>, vector<16xi32>, vector<16xi32>], vector<16xi32>,
        %parallel_loop3A_129 = vector.bitcast %parallel_loop3A_128 : vector<16xi32> to vector<16xf32>
        %parallel_loop3A_130 = arith.index_cast %parallel_loop3A_126 : i32 to index
        %parallel_loop3A_131 = arith.constant 0 : index
        %parallel_loop3A_132 = tpu.vector_load %arg8[%parallel_loop3A_130, %parallel_loop3A_131] {strides = array<i32>} : memref<128x128xf32, #tpu.memory_space<vmem>>, vector<16xf32>,
        %parallel_loop3A_133 = arith.mulf %parallel_loop3A_132, %parallel_loop3A_129 : vector<16xf32>
        %parallel_loop3A_134 = arith.index_cast %parallel_loop3A_126 : i32 to index
        %parallel_loop3A_135 = arith.constant 0 : index
        %parallel_loop3A_136 = tpu.vector_load %arg8[%parallel_loop3A_134, %parallel_loop3A_135] {strides = array<i32>} : memref<128x128xf32, #tpu.memory_space<vmem>>, vector<16xf32>,
        tpu.vector_store %arg8[%parallel_loop3A_134, %parallel_loop3A_135], %parallel_loop3A_133 {strides = array<i32>} : memref<128x128xf32, #tpu.memory_space<vmem>>, vector<16xf32>,
        %parallel_loop3A_137 = arith.index_cast %parallel_loop3A_126 : i32 to index
        %parallel_loop3A_138 = arith.constant 16 : index
        %parallel_loop3A_139 = tpu.vector_load %arg8[%parallel_loop3A_137, %parallel_loop3A_138] {strides = array<i32>} : memref<128x128xf32, #tpu.memory_space<vmem>>, vector<16xf32>,
        %parallel_loop3A_140 = arith.mulf %parallel_loop3A_139, %parallel_loop3A_129 : vector<16xf32>
        %parallel_loop3A_141 = arith.index_cast %parallel_loop3A_126 : i32 to index
        %parallel_loop3A_142 = arith.constant 16 : index
        %parallel_loop3A_143 = tpu.vector_load %arg8[%parallel_loop3A_141, %parallel_loop3A_142] {strides = array<i32>} : memref<128x128xf32, #tpu.memory_space<vmem>>, vector<16xf32>,
        tpu.vector_store %arg8[%parallel_loop3A_141, %parallel_loop3A_142], %parallel_loop3A_140 {strides = array<i32>} : memref<128x128xf32, #tpu.memory_space<vmem>>, vector<16xf32>,
        %parallel_loop3A_144 = arith.index_cast %parallel_loop3A_126 : i32 to index
        %parallel_loop3A_145 = arith.constant 32 : index
        %parallel_loop3A_146 = tpu.vector_load %arg8[%parallel_loop3A_144, %parallel_loop3A_145] {strides = array<i32>} : memref<128x128xf32, #tpu.memory_space<vmem>>, vector<16xf32>,
        %parallel_loop3A_147 = arith.mulf %parallel_loop3A_146, %parallel_loop3A_129 : vector<16xf32>
        %parallel_loop3A_148 = arith.index_cast %parallel_loop3A_126 : i32 to index
        %parallel_loop3A_149 = arith.constant 32 : index
        %parallel_loop3A_150 = tpu.vector_load %arg8[%parallel_loop3A_148, %parallel_loop3A_149] {strides = array<i32>} : memref<128x128xf32, #tpu.memory_space<vmem>>, vector<16xf32>,
        tpu.vector_store %arg8[%parallel_loop3A_148, %parallel_loop3A_149], %parallel_loop3A_147 {strides = array<i32>} : memref<128x128xf32, #tpu.memory_space<vmem>>, vector<16xf32>,
        %parallel_loop3A_151 = arith.index_cast %parallel_loop3A_126 : i32 to index
        %parallel_loop3A_152 = arith.constant 48 : index
        %parallel_loop3A_153 = tpu.vector_load %arg8[%parallel_loop3A_151, %parallel_loop3A_152] {strides = array<i32>} : memref<128x128xf32, #tpu.memory_space<vmem>>, vector<16xf32>,
        %parallel_loop3A_154 = arith.mulf %parallel_loop3A_153, %parallel_loop3A_129 : vector<16xf32>
        %parallel_loop3A_155 = arith.index_cast %parallel_loop3A_126 : i32 to index
        %parallel_loop3A_156 = arith.constant 48 : index
        %parallel_loop3A_157 = tpu.vector_load %arg8[%parallel_loop3A_155, %parallel_loop3A_156] {strides = array<i32>} : memref<128x128xf32, #tpu.memory_space<vmem>>, vector<16xf32>,
        tpu.vector_store %arg8[%parallel_loop3A_155, %parallel_loop3A_156], %parallel_loop3A_154 {strides = array<i32>} : memref<128x128xf32, #tpu.memory_space<vmem>>, vector<16xf32>,
        %parallel_loop3A_158 = arith.index_cast %parallel_loop3A_126 : i32 to index
        %parallel_loop3A_159 = arith.constant 64 : index
        %parallel_loop3A_160 = tpu.vector_load %arg8[%parallel_loop3A_158, %parallel_loop3A_159] {strides = array<i32>} : memref<128x128xf32, #tpu.memory_space<vmem>>, vector<16xf32>,
        %parallel_loop3A_161 = arith.mulf %parallel_loop3A_160, %parallel_loop3A_129 : vector<16xf32>
        %parallel_loop3A_162 = arith.index_cast %parallel_loop3A_126 : i32 to index
        %parallel_loop3A_163 = arith.constant 64 : index
        %parallel_loop3A_164 = tpu.vector_load %arg8[%parallel_loop3A_162, %parallel_loop3A_163] {strides = array<i32>} : memref<128x128xf32, #tpu.memory_space<vmem>>, vector<16xf32>,
        tpu.vector_store %arg8[%parallel_loop3A_162, %parallel_loop3A_163], %parallel_loop3A_161 {strides = array<i32>} : memref<128x128xf32, #tpu.memory_space<vmem>>, vector<16xf32>,
        %parallel_loop3A_165 = arith.index_cast %parallel_loop3A_126 : i32 to index
        %parallel_loop3A_166 = arith.constant 80 : index
        %parallel_loop3A_167 = tpu.vector_load %arg8[%parallel_loop3A_165, %parallel_loop3A_166] {strides = array<i32>} : memref<128x128xf32, #tpu.memory_space<vmem>>, vector<16xf32>,
        %parallel_loop3A_168 = arith.mulf %parallel_loop3A_167, %parallel_loop3A_129 : vector<16xf32>
        %parallel_loop3A_169 = arith.index_cast %parallel_loop3A_126 : i32 to index
        %parallel_loop3A_170 = arith.constant 80 : index
        %parallel_loop3A_171 = tpu.vector_load %arg8[%parallel_loop3A_169, %parallel_loop3A_170] {strides = array<i32>} : memref<128x128xf32, #tpu.memory_space<vmem>>, vector<16xf32>,
        tpu.vector_store %arg8[%parallel_loop3A_169, %parallel_loop3A_170], %parallel_loop3A_168 {strides = array<i32>} : memref<128x128xf32, #tpu.memory_space<vmem>>, vector<16xf32>,
        %parallel_loop3A_172 = arith.index_cast %parallel_loop3A_126 : i32 to index
        %parallel_loop3A_173 = arith.constant 96 : index
        %parallel_loop3A_174 = tpu.vector_load %arg8[%parallel_loop3A_172, %parallel_loop3A_173] {strides = array<i32>} : memref<128x128xf32, #tpu.memory_space<vmem>>, vector<16xf32>,
        %parallel_loop3A_175 = arith.mulf %parallel_loop3A_174, %parallel_loop3A_129 : vector<16xf32>
        %parallel_loop3A_176 = arith.index_cast %parallel_loop3A_126 : i32 to index
        %parallel_loop3A_177 = arith.constant 96 : index
        %parallel_loop3A_178 = tpu.vector_load %arg8[%parallel_loop3A_176, %parallel_loop3A_177] {strides = array<i32>} : memref<128x128xf32, #tpu.memory_space<vmem>>, vector<16xf32>,
        tpu.vector_store %arg8[%parallel_loop3A_176, %parallel_loop3A_177], %parallel_loop3A_175 {strides = array<i32>} : memref<128x128xf32, #tpu.memory_space<vmem>>, vector<16xf32>,
        %parallel_loop3A_179 = arith.index_cast %parallel_loop3A_126 : i32 to index
        %parallel_loop3A_180 = arith.constant 112 : index
        %parallel_loop3A_181 = tpu.vector_load %arg8[%parallel_loop3A_179, %parallel_loop3A_180] {strides = array<i32>} : memref<128x128xf32, #tpu.memory_space<vmem>>, vector<16xf32>,
        %parallel_loop3A_182 = arith.mulf %parallel_loop3A_181, %parallel_loop3A_129 : vector<16xf32>
        %parallel_loop3A_183 = arith.index_cast %parallel_loop3A_126 : i32 to index
        %parallel_loop3A_184 = arith.constant 112 : index
        %parallel_loop3A_185 = tpu.vector_load %arg8[%parallel_loop3A_183, %parallel_loop3A_184] {strides = array<i32>} : memref<128x128xf32, #tpu.memory_space<vmem>>, vector<16xf32>,
        tpu.vector_store %arg8[%parallel_loop3A_183, %parallel_loop3A_184], %parallel_loop3A_182 {strides = array<i32>} : memref<128x128xf32, #tpu.memory_space<vmem>>, vector<16xf32>,
      } {sc.loop_unroll_factor = 8 : i64, sc.parallel_access}
      %run_scoped3A_117 = arith.constant 0 : i32
      %run_scoped3A_118 = arith.constant 1 : i32
      "tpu.region"() ({
        %run_scoped3A_126 = tpu.sem_alloc : memref<!tpu.dma_semaphore, #tpu.memory_space<semaphore_mem>>
        %dma_start3A_127 = arith.constant 0 : i32
        %dma_start3A_128 = tpu.memref_slice %arg6[%run_scoped3A_117, %run_scoped3A_118, %dma_start3A_127] : memref<1x3x128xi32, #tpu.memory_space<vmem>> -> memref<1x1x128xi32, #tpu.memory_space<vmem>>
        %dma_start3A_129 = tpu.memref_squeeze %dma_start3A_128 : memref<1x1x128xi32, #tpu.memory_space<vmem>> -> memref<128xi32, #tpu.memory_space<vmem>>
        %dma_start3A_130 = arith.constant 0 : i32
        %dma_start3A_131 = arith.constant 0 : i32
        %dma_start3A_132 = tpu.memref_slice %arg9[%dma_start3A_130, %dma_start3A_131] : memref<10000x128xf32, #tpu.memory_space<vmem_shared>> -> memref<10000x128xf32, #tpu.memory_space<vmem_shared>>
        tpu.enqueue_indirect_dma source(%arg8 : memref<128x128xf32, #tpu.memory_space<vmem>>) target(%dma_start3A_132 : memref<10000x128xf32, #tpu.memory_space<vmem_shared>>) offsets(%dma_start3A_129 : memref<128xi32, #tpu.memory_space<vmem>>) semaphore(%run_scoped3A_126 : memref<!tpu.dma_semaphore, #tpu.memory_space<semaphore_mem>>) {add = true}
        %dma_wait3A_133 = arith.constant 0 : i32
        %dma_wait3A_134 = tpu.memref_slice %arg6[%run_scoped3A_117, %run_scoped3A_118, %dma_wait3A_133] : memref<1x3x128xi32, #tpu.memory_space<vmem>> -> memref<1x1x128xi32, #tpu.memory_space<vmem>>
        %dma_wait3A_135 = tpu.memref_squeeze %dma_wait3A_134 : memref<1x1x128xi32, #tpu.memory_space<vmem>> -> memref<128xi32, #tpu.memory_space<vmem>>
        %dma_wait3A_136 = arith.constant 0 : i32
        %dma_wait3A_137 = arith.constant 0 : i32
        %dma_wait3A_138 = tpu.memref_slice %arg9[%dma_wait3A_136, %dma_wait3A_137] : memref<10000x128xf32, #tpu.memory_space<vmem_shared>> -> memref<10000x128xf32, #tpu.memory_space<vmem_shared>>
        tpu.wait_indirect_dma semaphore(%run_scoped3A_126 : memref<!tpu.dma_semaphore, #tpu.memory_space<semaphore_mem>>) src(%arg8 : memref<128x128xf32, #tpu.memory_space<vmem>>) dst(%dma_wait3A_138 : memref<10000x128xf32, #tpu.memory_space<vmem_shared>>)
        tpu.yield
      }) : () -> ()
      %add3A_119 = arith.constant 3 : i32
      %add3A_120 = arith.addi %mul3A_71, %add3A_119 : i32
      %lt3A_121 = arith.constant 80 : i32
      %lt3A_122 = arith.cmpi slt, %add3A_120, %lt3A_121 : i32
      %convert_element_type3A_123 = arith.extui %lt3A_122 : i1 to i32
      %cond3A_124 = arith.constant 0 : i32
      %cond3A_125 = arith.cmpi ne, %convert_element_type3A_123, %cond3A_124 : i32
      scf.if %cond3A_125 {
        %add3A_126 = arith.constant 3 : i32
        %add3A_127 = arith.addi %mul3A_71, %add3A_126 : i32
        %add3A_128 = arith.addi %mul3A_22, %add3A_127 : i32
        %dma_start3A_129 = arith.constant 0 : i32
        %dma_start3A_130 = arith.constant 0 : i32
        %dma_start3A_131 = tpu.memref_slice %arg3[%add3A_128, %dma_start3A_129, %dma_start3A_130] : memref<2560x3x128xi32, #tpu.memory_space<hbm>> -> memref<1x3x128xi32, #tpu.memory_space<hbm>>
        %dma_start3A_132 = arith.constant 0 : i32
        %dma_start3A_133 = arith.constant 0 : i32
        %dma_start3A_134 = tpu.memref_slice %arg3[%add3A_128, %dma_start3A_132, %dma_start3A_133] : memref<2560x3x128xi32, #tpu.memory_space<hbm>> -> memref<1x3x128xi32, #tpu.memory_space<hbm>>
        tpu.enqueue_dma source(%dma_start3A_134 : memref<1x3x128xi32, #tpu.memory_space<hbm>>) target(%arg6 : memref<1x3x128xi32, #tpu.memory_space<vmem>>) target_semaphore(%arg11 : memref<!tpu.dma_semaphore, #tpu.memory_space<semaphore_mem>>)
      } else {
      }
    }
    %scan3A_62 = arith.constant 40 : i32
    %barrier3A_63 = arith.constant 0 : index
    tpu.barrier barrier_id(%barrier3A_63)
    "tpu.region"() ({
      %run_scoped3A = tpu.sem_alloc : memref<!tpu.dma_semaphore, #tpu.memory_space<semaphore_mem>>
      %dma_start3A_69 = arith.constant 0 : i32
      %dma_start3A_70 = arith.constant 0 : i32
      %dma_start3A_71 = tpu.memref_slice %arg4[%arg0, %dma_start3A_69, %dma_start3A_70] : memref<2x10000x128xf32, #tpu.memory_space<hbm>> -> memref<1x10000x128xf32, #tpu.memory_space<hbm>>
      %dma_start3A_72 = tpu.memref_squeeze %dma_start3A_71 : memref<1x10000x128xf32, #tpu.memory_space<hbm>> -> memref<10000x128xf32, #tpu.memory_space<hbm>>
      %dma_start3A_73 = arith.constant 0 : i32
      %dma_start3A_74 = tpu.memref_slice %dma_start3A_72[%mul3A_8, %dma_start3A_73] : memref<10000x128xf32, #tpu.memory_space<hbm>> -> memref<624x128xf32, #tpu.memory_space<hbm>>
      %dma_start3A_75 = arith.constant 0 : i32
      %dma_start3A_76 = tpu.memref_slice %arg9[%mul3A_8, %dma_start3A_75] : memref<10000x128xf32, #tpu.memory_space<vmem_shared>> -> memref<624x128xf32, #tpu.memory_space<vmem_shared>>
      tpu.enqueue_dma source(%dma_start3A_76 : memref<624x128xf32, #tpu.memory_space<vmem_shared>>) target(%dma_start3A_74 : memref<624x128xf32, #tpu.memory_space<hbm>>) target_semaphore(%run_scoped3A : memref<!tpu.dma_semaphore, #tpu.memory_space<semaphore_mem>>)
      %dma_wait3A_77 = arith.constant 0 : i32
      %dma_wait3A_78 = arith.constant 0 : i32
      %dma_wait3A_79 = tpu.memref_slice %arg4[%arg0, %dma_wait3A_77, %dma_wait3A_78] : memref<2x10000x128xf32, #tpu.memory_space<hbm>> -> memref<1x10000x128xf32, #tpu.memory_space<hbm>>
      %dma_wait3A_80 = tpu.memref_squeeze %dma_wait3A_79 : memref<1x10000x128xf32, #tpu.memory_space<hbm>> -> memref<10000x128xf32, #tpu.memory_space<hbm>>
      %dma_wait3A_81 = arith.constant 0 : i32
      %dma_wait3A_82 = tpu.memref_slice %dma_wait3A_80[%mul3A_8, %dma_wait3A_81] : memref<10000x128xf32, #tpu.memory_space<hbm>> -> memref<624x128xf32, #tpu.memory_space<hbm>>
      %dma_wait3A_83 = arith.constant 0 : i32
      %dma_wait3A_84 = tpu.memref_slice %arg9[%mul3A_8, %dma_wait3A_83] : memref<10000x128xf32, #tpu.memory_space<vmem_shared>> -> memref<624x128xf32, #tpu.memory_space<vmem_shared>>
      tpu.wait_dma2 semaphore(%run_scoped3A : memref<!tpu.dma_semaphore, #tpu.memory_space<semaphore_mem>>) src(%dma_wait3A_84 : memref<624x128xf32, #tpu.memory_space<vmem_shared>>) dst(%dma_wait3A_82 : memref<624x128xf32, #tpu.memory_space<hbm>>)
      tpu.yield
    }) : () -> ()
    %eq3A_64 = arith.constant 15 : i32
    %eq3A_65 = arith.cmpi eq, %arg1, %eq3A_64 : i32
    %convert_element_type3A_66 = arith.extui %eq3A_65 : i1 to i32
    %cond3A_67 = arith.constant 0 : i32
    %cond3A_68 = arith.cmpi ne, %convert_element_type3A_66, %cond3A_67 : i32
    scf.if %cond3A_68 {
      "tpu.region"() ({
        %run_scoped3A = tpu.sem_alloc : memref<!tpu.dma_semaphore, #tpu.memory_space<semaphore_mem>>
        %dma_start3A_69 = arith.constant 0 : i32
        %dma_start3A_70 = arith.constant 0 : i32
        %dma_start3A_71 = tpu.memref_slice %arg4[%arg0, %dma_start3A_69, %dma_start3A_70] : memref<2x10000x128xf32, #tpu.memory_space<hbm>> -> memref<1x10000x128xf32, #tpu.memory_space<hbm>>
        %dma_start3A_72 = tpu.memref_squeeze %dma_start3A_71 : memref<1x10000x128xf32, #tpu.memory_space<hbm>> -> memref<10000x128xf32, #tpu.memory_space<hbm>>
        %dma_start3A_73 = arith.constant 9984 : i32
        %dma_start3A_74 = arith.constant 0 : i32
        %dma_start3A_75 = tpu.memref_slice %dma_start3A_72[%dma_start3A_73, %dma_start3A_74] : memref<10000x128xf32, #tpu.memory_space<hbm>> -> memref<16x128xf32, #tpu.memory_space<hbm>>
        %dma_start3A_76 = arith.constant 9984 : i32
        %dma_start3A_77 = arith.constant 0 : i32
        %dma_start3A_78 = tpu.memref_slice %arg9[%dma_start3A_76, %dma_start3A_77] : memref<10000x128xf32, #tpu.memory_space<vmem_shared>> -> memref<16x128xf32, #tpu.memory_space<vmem_shared>>
        tpu.enqueue_dma source(%dma_start3A_78 : memref<16x128xf32, #tpu.memory_space<vmem_shared>>) target(%dma_start3A_75 : memref<16x128xf32, #tpu.memory_space<hbm>>) target_semaphore(%run_scoped3A : memref<!tpu.dma_semaphore, #tpu.memory_space<semaphore_mem>>)
        %dma_wait3A_79 = arith.constant 0 : i32
        %dma_wait3A_80 = arith.constant 0 : i32
        %dma_wait3A_81 = tpu.memref_slice %arg4[%arg0, %dma_wait3A_79, %dma_wait3A_80] : memref<2x10000x128xf32, #tpu.memory_space<hbm>> -> memref<1x10000x128xf32, #tpu.memory_space<hbm>>
        %dma_wait3A_82 = tpu.memref_squeeze %dma_wait3A_81 : memref<1x10000x128xf32, #tpu.memory_space<hbm>> -> memref<10000x128xf32, #tpu.memory_space<hbm>>
        %dma_wait3A_83 = arith.constant 9984 : i32
        %dma_wait3A_84 = arith.constant 0 : i32
        %dma_wait3A_85 = tpu.memref_slice %dma_wait3A_82[%dma_wait3A_83, %dma_wait3A_84] : memref<10000x128xf32, #tpu.memory_space<hbm>> -> memref<16x128xf32, #tpu.memory_space<hbm>>
        %dma_wait3A_86 = arith.constant 9984 : i32
        %dma_wait3A_87 = arith.constant 0 : i32
        %dma_wait3A_88 = tpu.memref_slice %arg9[%dma_wait3A_86, %dma_wait3A_87] : memref<10000x128xf32, #tpu.memory_space<vmem_shared>> -> memref<16x128xf32, #tpu.memory_space<vmem_shared>>
        tpu.wait_dma2 semaphore(%run_scoped3A : memref<!tpu.dma_semaphore, #tpu.memory_space<semaphore_mem>>) src(%dma_wait3A_88 : memref<16x128xf32, #tpu.memory_space<vmem_shared>>) dst(%dma_wait3A_85 : memref<16x128xf32, #tpu.memory_space<hbm>>)
        tpu.yield
      }) : () -> ()
    } else {
    }
    return
  }
}

module attributes {stable_mosaic.version = 14 : i64} {
  func.func @_tc_body(%arg0: i32, %arg1: memref<2000x128xf32, #tpu.memory_space<vmem>>, %arg2: memref<2000x128xf32, #tpu.memory_space<vmem>>, %arg3: memref<2000x128xf32, #tpu.memory_space<vmem>>, %arg4: memref<128x128xf32, #tpu.memory_space<vmem>>, %arg5: memref<128x128xf32, #tpu.memory_space<vmem>>, %arg6: memref<1x128xf32, #tpu.memory_space<vmem>>, %arg7: memref<1x128xf32, #tpu.memory_space<vmem>>, %arg8: memref<1x128xf32, #tpu.memory_space<vmem>>, %arg9: memref<1x128xf32, #tpu.memory_space<vmem>>, %arg10: memref<2000x128xf32, #tpu.memory_space<vmem>>, %arg11: memref<10000x128xf32, #tpu.memory_space<vmem>>, %arg12: memref<1x128xf32, #tpu.memory_space<vmem>>, %arg13: memref<1x128xf32, #tpu.memory_space<vmem>>) attributes {dimension_semantics = [#tpu.dimension_semantics<arbitrary>], iteration_bounds = array<i64: 10>, scalar_prefetch = 0 : i64, scratch_operands = 3 : i64, tpu.core_type = #tpu.core_type<tc>, window_params = [{transform_indices = @transform_0, window_bounds = array<i64: 2000, 128>}, {transform_indices = @transform_1, window_bounds = array<i64: 2000, 128>}, {transform_indices = @transform_2, window_bounds = array<i64: 2000, 128>}, {pipeline_mode = #tpu.pipeline_mode<synchronous>, transform_indices = @transform_3, window_bounds = array<i64: 128, 128>}, {pipeline_mode = #tpu.pipeline_mode<synchronous>, transform_indices = @transform_4, window_bounds = array<i64: 128, 128>}, {pipeline_mode = #tpu.pipeline_mode<synchronous>, transform_indices = @transform_5, window_bounds = array<i64: 1, 128>}, {pipeline_mode = #tpu.pipeline_mode<synchronous>, transform_indices = @transform_6, window_bounds = array<i64: 1, 128>}, {pipeline_mode = #tpu.pipeline_mode<synchronous>, transform_indices = @transform_7, window_bounds = array<i64: 1, 128>}, {pipeline_mode = #tpu.pipeline_mode<synchronous>, transform_indices = @transform_8, window_bounds = array<i64: 1, 128>}, {transform_indices = @transform_9, window_bounds = array<i64: 2000, 128>}]} {
    %lt3A = arith.constant 5 : i32
    %lt3A_0 = arith.cmpi slt, %arg0, %lt3A : i32
    %convert_element_type3A = arith.extui %lt3A_0 : i1 to i32
    %cond3A = arith.constant 0 : i32
    %cond3A_1 = arith.cmpi ne, %convert_element_type3A, %cond3A : i32
    scf.if %cond3A_1 {
      %get3A = arith.constant 0 : index
      %get3A_6 = arith.constant 0 : index
      %get3A_7 = vector.load %arg2[%get3A, %get3A_6] : memref<2000x128xf32, #tpu.memory_space<vmem>>, vector<2000x128xf32>
      %get3A_8 = arith.constant 0 : index
      %get3A_9 = arith.constant 0 : index
      %get3A_10 = vector.load %arg3[%get3A_8, %get3A_9] : memref<2000x128xf32, #tpu.memory_space<vmem>>, vector<2000x128xf32>
      %add3A = arith.addf %get3A_7, %get3A_10 : vector<2000x128xf32>
      %get3A_11 = arith.constant 0 : index
      %get3A_12 = arith.constant 0 : index
      %get3A_13 = vector.load %arg1[%get3A_11, %get3A_12] : memref<2000x128xf32, #tpu.memory_space<vmem>>, vector<2000x128xf32>
      %add3A_14 = arith.addf %get3A_13, %add3A : vector<2000x128xf32>
      %get3A_15 = arith.constant 0 : index
      %get3A_16 = arith.constant 0 : index
      %get3A_17 = vector.load %arg4[%get3A_15, %get3A_16] : memref<128x128xf32, #tpu.memory_space<vmem>>, vector<128x128xf32>
      %dot_general3A = arith.constant dense<0.000000e+00> : vector<2000x128xf32>
      %dot_general3A_18 = tpu.matmul %add3A_14, %get3A_17, %dot_general3A {dimension_numbers = #tpu.dot_dimension_numbers<[1], [0], [0], [1], [0, 0, 1, 1], [], []>, transpose_lhs_hint = false} : vector<2000x128xf32>, vector<128x128xf32>, vector<2000x128xf32> -> vector<2000x128xf32>
      %mul3A = arith.mulf %get3A_13, %add3A : vector<2000x128xf32>
      %get3A_19 = arith.constant 0 : index
      %get3A_20 = arith.constant 0 : index
      %get3A_21 = vector.load %arg5[%get3A_19, %get3A_20] : memref<128x128xf32, #tpu.memory_space<vmem>>, vector<128x128xf32>
      %dot_general3A_22 = arith.constant dense<0.000000e+00> : vector<2000x128xf32>
      %dot_general3A_23 = tpu.matmul %mul3A, %get3A_21, %dot_general3A_22 {dimension_numbers = #tpu.dot_dimension_numbers<[1], [0], [0], [1], [0, 0, 1, 1], [], []>, transpose_lhs_hint = false} : vector<2000x128xf32>, vector<128x128xf32>, vector<2000x128xf32> -> vector<2000x128xf32>
      %add3A_24 = arith.addf %dot_general3A_18, %dot_general3A_23 : vector<2000x128xf32>
      %get3A_25 = arith.constant 0 : index
      %get3A_26 = arith.constant 0 : index
      %get3A_27 = vector.load %arg6[%get3A_25, %get3A_26] : memref<1x128xf32, #tpu.memory_space<vmem>>, vector<1x128xf32>
      %add3A_28 = vector.broadcast %get3A_27 : vector<1x128xf32> to vector<2000x128xf32>
      %add3A_29 = arith.addf %add3A_24, %add3A_28 : vector<2000x128xf32>
      %get3A_30 = arith.constant 0 : index
      %get3A_31 = arith.constant 0 : index
      %get3A_32 = vector.load %arg7[%get3A_30, %get3A_31] : memref<1x128xf32, #tpu.memory_space<vmem>>, vector<1x128xf32>
      %add3A_33 = vector.broadcast %get3A_32 : vector<1x128xf32> to vector<2000x128xf32>
      %add3A_34 = arith.addf %add3A_29, %add3A_33 : vector<2000x128xf32>
      %mul3A_35 = arith.constant 2000 : i32
      %mul3A_36 = arith.muli %arg0, %mul3A_35 : i32
      %swap3A = arith.index_cast %mul3A_36 : i32 to index
      %swap3A_37 = arith.constant 0 : index
      %swap3A_38 = vector.load %arg11[%swap3A, %swap3A_37] : memref<10000x128xf32, #tpu.memory_space<vmem>>, vector<2000x128xf32>
      tpu.vector_store %arg11[%swap3A, %swap3A_37], %add3A_34 {strides = array<i32>} : memref<10000x128xf32, #tpu.memory_space<vmem>>, vector<2000x128xf32>,
      %eq3A = arith.constant 0 : i32
      %eq3A_39 = arith.cmpi eq, %arg0, %eq3A : i32
      %convert_element_type3A_40 = arith.extui %eq3A_39 : i1 to i32
      %cond3A_41 = arith.constant 0 : i32
      %cond3A_42 = arith.cmpi ne, %convert_element_type3A_40, %cond3A_41 : i32
      scf.if %cond3A_42 {
        %broadcast_in_dim3A_62 = arith.constant 0.000000e+00 : f32
        %broadcast_in_dim3A_63 = vector.broadcast %broadcast_in_dim3A_62 : f32 to vector<1x128xf32>
        %swap3A_64 = arith.constant 0 : index
        %swap3A_65 = arith.constant 0 : index
        %swap3A_66 = vector.load %arg12[%swap3A_64, %swap3A_65] : memref<1x128xf32, #tpu.memory_space<vmem>>, vector<1x128xf32>
        tpu.vector_store %arg12[%swap3A_64, %swap3A_65], %broadcast_in_dim3A_63 {strides = array<i32>} : memref<1x128xf32, #tpu.memory_space<vmem>>, vector<1x128xf32>,
        %broadcast_in_dim3A_67 = arith.constant 0.000000e+00 : f32
        %broadcast_in_dim3A_68 = vector.broadcast %broadcast_in_dim3A_67 : f32 to vector<1x128xf32>
        %swap3A_69 = arith.constant 0 : index
        %swap3A_70 = arith.constant 0 : index
        %swap3A_71 = vector.load %arg13[%swap3A_69, %swap3A_70] : memref<1x128xf32, #tpu.memory_space<vmem>>, vector<1x128xf32>
        tpu.vector_store %arg13[%swap3A_69, %swap3A_70], %broadcast_in_dim3A_68 {strides = array<i32>} : memref<1x128xf32, #tpu.memory_space<vmem>>, vector<1x128xf32>,
      } else {
      }
      %get3A_43 = arith.constant 0 : index
      %get3A_44 = arith.constant 0 : index
      %get3A_45 = vector.load %arg12[%get3A_43, %get3A_44] : memref<1x128xf32, #tpu.memory_space<vmem>>, vector<1x128xf32>
      %reduce_sum3A = arith.constant dense<0.000000e+00> : vector<128xf32>
      %reduce_sum3A_46 = vector.multi_reduction <add>, %add3A_34, %reduce_sum3A [0] : vector<2000x128xf32> to vector<128xf32>
      %broadcast_in_dim3A = vector.shape_cast %reduce_sum3A_46 : vector<128xf32> to vector<1x128xf32>
      %add3A_47 = arith.addf %get3A_45, %broadcast_in_dim3A : vector<1x128xf32>
      %swap3A_48 = arith.constant 0 : index
      %swap3A_49 = arith.constant 0 : index
      %swap3A_50 = vector.load %arg12[%swap3A_48, %swap3A_49] : memref<1x128xf32, #tpu.memory_space<vmem>>, vector<1x128xf32>
      tpu.vector_store %arg12[%swap3A_48, %swap3A_49], %add3A_47 {strides = array<i32>} : memref<1x128xf32, #tpu.memory_space<vmem>>, vector<1x128xf32>,
      %get3A_51 = arith.constant 0 : index
      %get3A_52 = arith.constant 0 : index
      %get3A_53 = vector.load %arg13[%get3A_51, %get3A_52] : memref<1x128xf32, #tpu.memory_space<vmem>>, vector<1x128xf32>
      %mul3A_54 = arith.mulf %add3A_34, %add3A_34 : vector<2000x128xf32>
      %reduce_sum3A_55 = arith.constant dense<0.000000e+00> : vector<128xf32>
      %reduce_sum3A_56 = vector.multi_reduction <add>, %mul3A_54, %reduce_sum3A_55 [0] : vector<2000x128xf32> to vector<128xf32>
      %broadcast_in_dim3A_57 = vector.shape_cast %reduce_sum3A_56 : vector<128xf32> to vector<1x128xf32>
      %add3A_58 = arith.addf %get3A_53, %broadcast_in_dim3A_57 : vector<1x128xf32>
      %swap3A_59 = arith.constant 0 : index
      %swap3A_60 = arith.constant 0 : index
      %swap3A_61 = vector.load %arg13[%swap3A_59, %swap3A_60] : memref<1x128xf32, #tpu.memory_space<vmem>>, vector<1x128xf32>
      tpu.vector_store %arg13[%swap3A_59, %swap3A_60], %add3A_58 {strides = array<i32>} : memref<1x128xf32, #tpu.memory_space<vmem>>, vector<1x128xf32>,
    } else {
    }
    %ge3A = arith.constant 5 : i32
    %ge3A_2 = arith.cmpi sge, %arg0, %ge3A : i32
    %convert_element_type3A_3 = arith.extui %ge3A_2 : i1 to i32
    %cond3A_4 = arith.constant 0 : i32
    %cond3A_5 = arith.cmpi ne, %convert_element_type3A_3, %cond3A_4 : i32
    scf.if %cond3A_5 {
      %sub3A = arith.constant 5 : i32
      %sub3A_6 = arith.subi %arg0, %sub3A : i32
      %get3A = arith.constant 0 : index
      %get3A_7 = arith.constant 0 : index
      %get3A_8 = vector.load %arg12[%get3A, %get3A_7] : memref<1x128xf32, #tpu.memory_space<vmem>>, vector<1x128xf32>
      %mul3A = arith.constant 9.99999974E-5 : f32
      %mul3A_9 = vector.broadcast %mul3A : f32 to vector<1x128xf32>
      %mul3A_10 = arith.mulf %get3A_8, %mul3A_9 : vector<1x128xf32>
      %get3A_11 = arith.constant 0 : index
      %get3A_12 = arith.constant 0 : index
      %get3A_13 = vector.load %arg13[%get3A_11, %get3A_12] : memref<1x128xf32, #tpu.memory_space<vmem>>, vector<1x128xf32>
      %mul3A_14 = arith.constant 9.99999974E-5 : f32
      %mul3A_15 = vector.broadcast %mul3A_14 : f32 to vector<1x128xf32>
      %mul3A_16 = arith.mulf %get3A_13, %mul3A_15 : vector<1x128xf32>
      %mul3A_17 = arith.mulf %mul3A_10, %mul3A_10 : vector<1x128xf32>
      %sub3A_18 = arith.subf %mul3A_16, %mul3A_17 : vector<1x128xf32>
      %add3A = arith.constant 9.99999974E-6 : f32
      %add3A_19 = vector.broadcast %add3A : f32 to vector<1x128xf32>
      %add3A_20 = arith.addf %sub3A_18, %add3A_19 : vector<1x128xf32>
      %rsqrt3A = math.rsqrt %add3A_20 : vector<1x128xf32>
      %get3A_21 = arith.constant 0 : index
      %get3A_22 = arith.constant 0 : index
      %get3A_23 = vector.load %arg8[%get3A_21, %get3A_22] : memref<1x128xf32, #tpu.memory_space<vmem>>, vector<1x128xf32>
      %mul3A_24 = arith.mulf %rsqrt3A, %get3A_23 : vector<1x128xf32>
      %mul3A_25 = arith.constant 2000 : i32
      %mul3A_26 = arith.muli %sub3A_6, %mul3A_25 : i32
      %get3A_27 = arith.index_cast %mul3A_26 : i32 to index
      %get3A_28 = arith.constant 0 : index
      %get3A_29 = vector.load %arg11[%get3A_27, %get3A_28] : memref<10000x128xf32, #tpu.memory_space<vmem>>, vector<2000x128xf32>
      %sub3A_30 = vector.broadcast %mul3A_10 : vector<1x128xf32> to vector<2000x128xf32>
      %sub3A_31 = arith.subf %get3A_29, %sub3A_30 : vector<2000x128xf32>
      %mul3A_32 = vector.broadcast %mul3A_24 : vector<1x128xf32> to vector<2000x128xf32>
      %mul3A_33 = arith.mulf %sub3A_31, %mul3A_32 : vector<2000x128xf32>
      %get3A_34 = arith.constant 0 : index
      %get3A_35 = arith.constant 0 : index
      %get3A_36 = vector.load %arg9[%get3A_34, %get3A_35] : memref<1x128xf32, #tpu.memory_space<vmem>>, vector<1x128xf32>
      %add3A_37 = vector.broadcast %get3A_36 : vector<1x128xf32> to vector<2000x128xf32>
      %add3A_38 = arith.addf %mul3A_33, %add3A_37 : vector<2000x128xf32>
      %swap3A = arith.constant 0 : index
      %swap3A_39 = arith.constant 0 : index
      %swap3A_40 = vector.load %arg10[%swap3A, %swap3A_39] : memref<2000x128xf32, #tpu.memory_space<vmem>>, vector<2000x128xf32>
      tpu.vector_store %arg10[%swap3A, %swap3A_39], %add3A_38 {strides = array<i32>} : memref<2000x128xf32, #tpu.memory_space<vmem>>, vector<2000x128xf32>,
    } else {
    }
    return
  }
  func.func @transform_0(%arg0: i32) -> (i32, i32) {
    %min3A = arith.constant 4 : i32
    %min3A_0 = arith.minsi %arg0, %min3A : i32
    %c0_i32 = arith.constant 0 : i32
    %c0_i32_1 = arith.constant 0 : i32
    return %min3A_0, %c0_i32 : i32, i32
  }
  func.func @transform_1(%arg0: i32) -> (i32, i32) {
    %min3A = arith.constant 4 : i32
    %min3A_0 = arith.minsi %arg0, %min3A : i32
    %c0_i32 = arith.constant 0 : i32
    %c0_i32_1 = arith.constant 0 : i32
    return %min3A_0, %c0_i32 : i32, i32
  }
  func.func @transform_2(%arg0: i32) -> (i32, i32) {
    %min3A = arith.constant 4 : i32
    %min3A_0 = arith.minsi %arg0, %min3A : i32
    %c0_i32 = arith.constant 0 : i32
    %c0_i32_1 = arith.constant 0 : i32
    return %min3A_0, %c0_i32 : i32, i32
  }
  func.func @transform_3(%arg0: i32) -> (i32, i32) {
    %c0_i32 = arith.constant 0 : i32
    %c0_i32_0 = arith.constant 0 : i32
    %c0_i32_1 = arith.constant 0 : i32
    return %c0_i32, %c0_i32_0 : i32, i32
  }
  func.func @transform_4(%arg0: i32) -> (i32, i32) {
    %c0_i32 = arith.constant 0 : i32
    %c0_i32_0 = arith.constant 0 : i32
    %c0_i32_1 = arith.constant 0 : i32
    return %c0_i32, %c0_i32_0 : i32, i32
  }
  func.func @transform_5(%arg0: i32) -> (i32, i32) {
    %c0_i32 = arith.constant 0 : i32
    %c0_i32_0 = arith.constant 0 : i32
    %c0_i32_1 = arith.constant 0 : i32
    return %c0_i32, %c0_i32_0 : i32, i32
  }
  func.func @transform_6(%arg0: i32) -> (i32, i32) {
    %c0_i32 = arith.constant 0 : i32
    %c0_i32_0 = arith.constant 0 : i32
    %c0_i32_1 = arith.constant 0 : i32
    return %c0_i32, %c0_i32_0 : i32, i32
  }
  func.func @transform_7(%arg0: i32) -> (i32, i32) {
    %c0_i32 = arith.constant 0 : i32
    %c0_i32_0 = arith.constant 0 : i32
    %c0_i32_1 = arith.constant 0 : i32
    return %c0_i32, %c0_i32_0 : i32, i32
  }
  func.func @transform_8(%arg0: i32) -> (i32, i32) {
    %c0_i32 = arith.constant 0 : i32
    %c0_i32_0 = arith.constant 0 : i32
    %c0_i32_1 = arith.constant 0 : i32
    return %c0_i32, %c0_i32_0 : i32, i32
  }
  func.func @transform_9(%arg0: i32) -> (i32, i32) {
    %sub3A = arith.constant 5 : i32
    %sub3A_0 = arith.subi %arg0, %sub3A : i32
    %max3A = arith.constant 0 : i32
    %max3A_1 = arith.maxsi %sub3A_0, %max3A : i32
    %c0_i32 = arith.constant 0 : i32
    %c0_i32_2 = arith.constant 0 : i32
    return %max3A_1, %c0_i32 : i32, i32
  }
}

</mosaic_0001>

<sc_bundles>
// kernel: kernel.4.cloned.1.call-start
scs
__scs_entry_jumppad:
0x0: {  	(pc) =	sbr.rel $0x88, $3  }
0x1: {  	(tag) =	ssettag $0x0;
	lr =	simm.s32 $0x1  }
0x2: {  	[smem:$0x3F97] =	sst lr;
	_ =	strace $0xD0000000  }
0x3: {  	_ = 	snop  }
0x4: {  	_ = 	snop  }
0x5: {  	_ = 	snop  }
0x6: {  	_ = 	snop  }
0x7: {  	_ = 	snop  }
__scs_overlays_trampoline_lowered:
0x8: {  	[smem:$0x3FA6] =	sst s0  }
0x9: {  	[smem:$0x3FA7] =	sst s1  }
0xa: {  	[smem:$0x3FA8] =	sst s2  }
0xb: {  	[smem:$0x3FA9] =	sst s3  }
0xc: {  	[smem:$0x3FAA] =	sst s4  }
0xd: {  	[smem:$0x3FAB] =	sst s5  }
0xe: {  	[smem:$0x3FAC] =	sst s6  }
0xf: {  	[smem:$0x3FAD] =	sst s7  }
0x10: {  	[smem:$0x3FAE] =	sst s8  }
0x11: {  	[smem:$0x3FAF] =	sst s9;
	s0 =	simm.s32 @!p0 $0x0  }
0x12: {  	s1 =	sld [smem:$0x3F95];
	s0 =	simm.s32 @p0 $0x1  }
0x13: {  	[smem:$0x3FB0] =	sst s0;
	s0 =	simm.s32 @!p1 $0x0  }
0x14: {  	s2 =	sld [smem:$0x3F94];
	s0 =	simm.s32 @p1 $0x1  }
0x15: {  	[smem:$0x3FB1] =	sst s0;
	s0 =	simm.s32 @!p2 $0x0  }
0x16: {  	s3 =	sld [smem:$0x3FDB];
	s0 =	simm.s32 @p2 $0x1  }
0x17: {  	s4 =	simm.s32 $0x1BF5;
	[smem:$0x3FB3] =	sst s0  }
0x18: {  	s0 =	sld [smem:$0x3F96];
	_ =	swait.ge [sflag:s4], $0x0  }
0x19: {  	s7 =	sld [smem:$0x3F97]  }
0x1a: {  	s8 =	sadd.s32 $0xFFFFE003, lr  }
0x1b: {  	s9 =	sadd.s32 $0xFFFFFEF7, lr;
	s5 =	simm.s32 $0xFFFFFFFF;
	p2 =	slt.u32 s8, $0xFFFFF086  }
0x1c: {  	p1 =	slt.u32 s9, $0xF7A;
	s5 =	simm.s32 @!p2 $0x0  }
0x1d: {  	s5 =	simm.s32 @p1 $0x1;
	p0 =	seq.s32 s7, s2  }
0x1e: {  	s7 =	smul.u32 @!p0 $0xF7A, s2;
	p2 =	seq.s32 @!p0 s5, $0x0  }
0x1f: {  	s9 =	smul.u32 $0xF7A, s1;
	s8 =	simm.s32 @!p0 $0x1BF5;
	p2 =	por !p2, p0  }
0x20: {  	[sflag:s8] =	ssyncset.s32 @!p0 $0xFFFFF086;
	s6 =	sadd.s32 @!p0 s3, s7;
	s7 =	simm.s32 @!p0 $0x108  }
0x21: {  	s3 =	sadd.s32 s3, s9;
	s6 =	sadd.s32 @!p0 $0x88, s6;
	s7 =	simm.s32 @p2 $0x1082  }
0x22: {  	[simem:s7], [sflag:s8] =	dma.local @!p0 [hbm:s6], $0xF7A  }
0x23: {  	s9 =	sor.u32 $0xD0000000, s2;
	s6 =	simm.s32 $0x108;
	_ =	swait.ge @!p0 [sflag:s8], $0x0  }
0x24: {  	s3 =	sadd.s32 $0x88, s3;
	s6 =	simm.s32 @!p1 $0x1082;
	[sflag:s4] =	ssyncset.s32 $0xFFFFF086  }
0x25: {  	[simem:s6], [sflag:s4] =	dma.local [hbm:s3], $0xF7A  }
0x26: {  	[smem:$0x3F97] =	sst s1;
	(tag) =	ssettag s2;
	_ =	strace s9  }
0x27: {  	s1 =	sld [smem:$0x3FA7]  }
0x28: {  	s2 =	sld [smem:$0x3FA8]  }
0x29: {  	s4 =	sld [smem:$0x3FAA]  }
0x2a: {  	p0 =	seq.s32 s5, $0x0;
	s5 =	sld [smem:$0x3FAB]  }
0x2b: {  	s6 =	sld [smem:$0x3FAC]  }
0x2c: {  	s7 =	sld [smem:$0x3FAD]  }
0x2d: {  	s3 =	simm.s32 $0x108;
	s8 =	sld [smem:$0x3FAE]  }
0x2e: {  	s3 =	simm.s32 @!p0 $0x1082;
	s9 =	sld [smem:$0x3FAF]  }
0x2f: {  	lr =	sadd.s32 s0, s3;
	s0 =	sld [smem:$0x3FA6]  }
0x30: {  	s3 =	sld [smem:$0x3FA9]  }
0x31: {  	[smem:$0x3FB2] =	sst s10  }
0x32: {  	s10 =	sld [smem:$0x3FB0];
	_ =	sdelay $0x3  }
0x33: {  	p0 =	seq.s32 s10, $0x1;
	s10 =	sld [smem:$0x3FB2];
	_ =	sdelay $0x3  }
0x34: {  	[smem:$0x3FB2] =	sst s10  }
0x35: {  	s10 =	sld [smem:$0x3FB1];
	_ =	sdelay $0x3  }
0x36: {  	p1 =	seq.s32 s10, $0x1;
	s10 =	sld [smem:$0x3FB2];
	_ =	sdelay $0x3  }
0x37: {  	[smem:$0x3FB2] =	sst s10  }
0x38: {  	s10 =	sld [smem:$0x3FB3]  }
0x39: {  	_ = 	snop;
	(pc) =	sbr.ind lr, $3  }
0x3a: {  	_ = 	snop  }
0x3b: {  	_ = 	snop  }
0x3c: {  	p2 =	seq.s32 s10, $0x1;
	s10 =	sld [smem:$0x3FB2]  }
0x3d: {  	_ =	shalt  }
0x3e: {  	_ =	shalt  }
0x3f: {  	_ =	shalt  }
0x40: {  	_ =	shalt  }
0x41: {  	_ =	shalt  }
0x42: {  	_ =	shalt  }
0x43: {  	_ =	shalt  }
0x44: {  	_ =	shalt  }
0x45: {  	_ =	shalt  }
0x46: {  	_ =	shalt  }
0x47: {  	_ =	shalt  }
0x48: {  	_ =	shalt  }
0x49: {  	_ =	shalt  }
0x4a: {  	_ =	shalt  }
0x4b: {  	_ =	shalt  }
0x4c: {  	_ =	shalt  }
0x4d: {  	_ =	shalt  }
0x4e: {  	_ =	shalt  }
0x4f: {  	_ =	shalt  }
0x50: {  	_ =	shalt  }
0x51: {  	_ =	shalt  }
0x52: {  	_ =	shalt  }
0x53: {  	_ =	shalt  }
0x54: {  	_ =	shalt  }
0x55: {  	_ =	shalt  }
0x56: {  	_ =	shalt  }
0x57: {  	_ =	shalt  }
0x58: {  	_ =	shalt  }
0x59: {  	_ =	shalt  }
0x5a: {  	_ =	shalt  }
0x5b: {  	_ =	shalt  }
0x5c: {  	_ =	shalt  }
0x5d: {  	_ =	shalt  }
0x5e: {  	_ =	shalt  }
0x5f: {  	_ =	shalt  }
0x60: {  	_ =	shalt  }
0x61: {  	_ =	shalt  }
0x62: {  	_ =	shalt  }
0x63: {  	_ =	shalt  }
0x64: {  	_ =	shalt  }
0x65: {  	_ =	shalt  }
0x66: {  	_ =	shalt  }
0x67: {  	_ =	shalt  }
0x68: {  	_ =	shalt  }
0x69: {  	_ =	shalt  }
0x6a: {  	_ =	shalt  }
0x6b: {  	_ =	shalt  }
0x6c: {  	_ =	shalt  }
0x6d: {  	_ =	shalt  }
0x6e: {  	_ =	shalt  }
0x6f: {  	_ =	shalt  }
0x70: {  	_ =	shalt  }
0x71: {  	_ =	shalt  }
0x72: {  	_ =	shalt  }
0x73: {  	_ =	shalt  }
0x74: {  	_ =	shalt  }
0x75: {  	_ =	shalt  }
0x76: {  	_ =	shalt  }
0x77: {  	_ =	shalt  }
0x78: {  	_ =	shalt  }
0x79: {  	_ =	shalt  }
0x7a: {  	_ =	shalt  }
0x7b: {  	_ =	shalt  }
0x7c: {  	_ =	shalt  }
0x7d: {  	_ =	shalt  }
0x7e: {  	_ =	shalt  }
0x7f: {  	_ =	shalt  }
0x80: {  	_ =	shalt  }
0x81: {  	_ =	shalt  }
0x82: {  	_ =	shalt  }
0x83: {  	_ =	shalt  }
0x84: {  	_ =	shalt  }
0x85: {  	_ =	shalt  }
0x86: {  	_ =	shalt  }
0x87: {  	_ =	shalt  }
.Lfunc_end0:
.L_simem_size_0:
called_computation_lowered:
.L_overlay_start_0:
0x88: {  	s2 =	sld [smem:$0x3FD9]  }
0x89: {  	s3 =	sld [smem:$0x3FFE];
	_ =	sdelay $0x1  }
0x8a: {  	s1 =	srdreg.scid  }
0x8b: {  	s0 =	sand.u32 $0x1, s1  }
0x8c: {  	s17 =	sshll.u32 s0, $0xA;
	s2 =	sadd.s32 s3, s2  }
0x8d: {  	s2 =	sadd.s32 s2, s17  }
0x8e: {  	[smem:$0x3FBE] =	sst s2  }
0x8f: {  	_ = 	snop  }
0x90: {  	s2 =	sld [smem:$0x3FC9];
	(tm) =	ssettm $0x1  }
0x91: {  	s18 =	sld [smem:$0x3FFB];
	_ =	sdelay $0x3  }
0x92: {  	_ =	strace s18  }
0x93: {  	s3 =	sld [smem:$0x3FFC];
	_ =	sdelay $0x3  }
0x94: {  	_ =	strace s3  }
0x95: {  	s3 =	sld [smem:$0x3FFD];
	_ =	sdelay $0x3  }
0x96: {  	_ =	strace s3  }
0x97: {  	_ =	strace $0x8FFFFFFF  }
0x98: {  	s19 =	sld [smem:$0x3FDB];
	_ =	sdelay $0x1  }
0x99: {  	s4 =	simm.s32 $_scs_section_size  }
0x9a: {  	s5 =	simm.s32 $_size__tile_overlayer_lowered;
	s6 =	simm.s32 $_tile_overlayer_lowered  }
0x9b: {  	s22 =	simm.s32 $0x1BFF;
	s21 =	sshll.u32 s6, $0x1;
	s3 =	sadd.s32 s4, s19  }
0x9c: {  	s7 =	simm.s32 $0x0;
	s20 =	sshll.u32 s5, $0x1;
	s5 =	sadd.s32 s21, s3  }
0x9d: {  	[timem:s7], [sflag:s22] =	dma.local [hbm:s5], s20  }
0x9e: {  	_ =	swait.ge [sflag:s22], s20  }
0x9f: {  	s4 =	ssub.s32 $0x0, s20;
	[sflag:s22] =	ssyncset.done $0x0  }
0xa0: {  	[sflag:s22] =	ssyncadd.s32 s4;
	_ =	sdelay $0x1  }
0xa1: {  	s23 =	simm.s32 $0x1B8B  }
0xa2: {  	_ =	swait.ge [sflag:s23], $0x1  }
0xa3: {  	[sflag:s23] =	ssyncset.done $0x0  }
0xa4: {  	s25 =	simm.s32 $0x1B8E;
	s24 =	sld [smem:$0x3FFE];
	[sflag:s23] =	ssyncadd.s32 $0xFFFFFFFF  }
0xa5: {  	s26 =	simm.s32 $execute0_lowered;
	[smem:$0x3FD2] =	sst s25  }
0xa6: {  	s5 =	sshll.u32 s26, $0x1;
	_ =	strace $0x80000046;
	[dreg:$0x1] =	wrdreg $0xFFFFFFFF  }
0xa7: {  	s28 =	simm.s32 $_size_execute0_lowered;
	s3 =	sadd.s32 s3, s5;
	[dreg:$0x0] =	wrdreg $0x0  }
0xa8: {  	s5 =	sshll.u32 s28, $0x1;
	[dreg:$0x2] =	wrdreg s3  }
0xa9: {  	[dreg:$0x3] =	wrdreg s5  }
0xaa: {  	[dreg:$0x4] =	wrdreg $0xC0  }
0xab: {  	_ =	task [dreg:s7], $0x5FFFF  }
0xac: {  	[dreg:$0x1] =	wrdreg $0xFFFFFFFF  }
0xad: {  	[dreg:$0x0] =	wrdreg $0x60  }
0xae: {  	[dreg:$0x2] =	wrdreg s2  }
0xaf: {  	[dreg:$0x3] =	wrdreg s24  }
0xb0: {  	[dreg:$0x4] =	wrdreg $0x84000  }
0xb1: {  	[dreg:$0x5] =	wrdreg $0x9  }
0xb2: {  	_ =	task.clear_ibuf [dreg:s7], $0x6FFFF;
	_ =	strace $0x90000046  }
0xb3: {  	s29 =	simm.s32 $0x9;
	_ =	strace $0x80000048  }
0xb4: {  	_ =	swait.ge [sflag:s29], $0x1  }
0xb5: {  	[sflag:s29] =	ssyncadd.s32 $0xFFFFFFFF  }
0xb6: {  	_ =	strace $0x90000048  }
0xb7: {  	_ =	sfence  }
0xb8: {  	s30 =	sld [smem:$0x0];
	_ =	sdelay $0x2  }
0xb9: {  	s31 =	sshll.u32 s1, $0xD;
	s1 =	sshrl.u32 s1, $0x2  }
0xba: {  	s3 =	sand.u32 $0x4000, s31;
	s1 =	sadd.s32 s1, s30  }
0xbb: {  	s0 =	sor.u32 s3, s0;
	s1 =	sshll.u32 s1, $0x11  }
0xbc: {  	s0 =	sor.u32 s1, s0  }
0xbd: {  	s0 =	sadd.s32 $0x8F2B, s0  }
0xbe: {  	[sflag:s0] =	ssyncadd.remote.s32 $0x1  }
0xbf: {  	_ =	sfence.sel $0xFFFF  }
0xc0: {  	[dreg:$0x0] =	wrdreg $0xFFFFFFFF;
	(pc) =	sbr.abs _section_cstart, $3  }
0xc1: {  	[dreg:$0x1] =	wrdreg $0xFFFFFFFF  }
0xc2: {  	_ =	task.clear_ibuf [dreg:s7], $0x2FFFF;
	_ =	strace $0x9FFFFFFF  }
0xc3: {  	(tm) =	ssettm $0x7FFFFFFF  }
tec
execute0_lowered:
.L_overlay_start_1:
0x0: {  	(tag) =	ssettag $0x1  }
0x1: {  	s1 =	rddreg [dreg:$0x0]  }
0x2: {  	s0 =	rddreg [dreg:$0x1]  }
0x3: {  	s2 =	rddreg [dreg:$0x2];
	s3 =	simm.s32 $0x0;
	s4 =	srdreg.scid  }
0x4: {  	s11 =	stileid.u32;
	s28 =	simm.s32 $0x4;
	s29 =	simm.s32 $0x280  }
0x5: {  	s30 =	simm.s32 $0x0;
	s31 =	simm.s32 $0x0;
	[smem:$0x7FF] =	sst s3  }
0x6: {  	s4 =	sand.u32 $0x1, s4;
	s7 =	smul.u32 $0x4E000, s11;
	s5 =	sadd.s32 $0x2000, s0  }
0x7: {  	s12 =	sadd.s32 $0x138000, s2;
	s26 =	smul.u32 $0x2700, s11;
	p0 =	sne.s32 s11, $0xF  }
0x8: {  	s6 =	smul.u32 $0x27100, s4;
	_ =	strace $0x80000047;
	s18 =	sshll.u32 s4, $0x4  }
0x9: {  	s4 =	ssub.s32 $0x2, s4;
	s8 =	sor.u32 s11, s18;
	s19 =	sshrl.u32 s7, $0x2  }
0xa: {  	s20 =	sshrl.u32 s4, $0x1;
	s18 =	simm.s32 $0x400;
	s0 =	sadd.s32 s6, s0  }
0xb: {  	s6 =	sadd.s32 s19, s2;
	s9 =	smul.u32 $0x1400, s8;
	s4 =	ssub.s32 s4, s20  }
0xc: {  	s24 =	smul.u32 $0x50, s8;
	s19 =	simm.s32 $0x5;
	s21 =	sadd.s32 $0x4000, s6  }
0xd: {  	s20 =	simm.s32 $0x1;
	s22 =	sadd.s32 $0x8000, s6;
	[dreg:$0x4] =	wrdreg s21  }
0xe: {  	s23 =	sadd.s32 $0xC000, s6;
	s25 =	sadd.s32 $0x10000, s6;
	[dreg:$0x5] =	wrdreg s22  }
.Ltmp0:
0xf: {  	s16 =	sadd.s32 $0x2A000, s0;
	[dreg:$0x6] =	wrdreg s23;
	(pc) =	sbr.rel .LBB2_1-.Ltmp0, $4  }
0x10: {  	s17 =	smax.u32 s4, $0x1;
	s10 =	sadd.s32 s5, s9;
	[dreg:$0x7] =	wrdreg s25  }
0x11: {  	s14 =	sor.u32 $0x2, s24;
	s15 =	sor.u32 $0x3, s24;
	s21 =	simm.s32 $0x80  }
0x12: {  	s22 =	simm.s32 $0x200;
	s23 =	simm.s32 $0x2;
	s24 =	simm.s32 $0x4400  }
0x13: {  	v0 =	vimm.f32 $0.0e+00;
	s25 =	sadd.s32 s26, s16;
	s26 =	simm.s32 $0x3;
	s13 =	sadd.s32 $0x40, s10  }
.LBB2_10:
0x14: {  	s0 =	stileid.u32  }
0x15: {  	s0 =	sshll.u32 s0, $0x6  }
0x16: {  	[bflag:$0x0] =	sbarrier.arrive $0xFFFF;
	s4 =	sshrl.u32 s6, $0x3;
	s0 =	sor.u32 $0x1C05, s0  }
0x17: {  	[hbm:s25], [sflag:s0] =	dma.local [spmem:s4], $0x2700  }
0x18: {  	_ =	swait.ge [sflag:s19], $0x2700  }
0x19: {  	s7 =	sshrl.u32 @!p0 s12, $0x3;
	s30 =	sadd.s32 $0x1, s30;
	[sflag:s19] =	ssyncset.done $0x0  }
0x1a: {  	p1 =	sne.s32 s30, s17;
	s4 =	sadd.s32 @!p0 $0x27000, s16;
	[sflag:s19] =	ssyncadd.s32 $0xFFFFD900  }
0x1b: {  	[hbm:s4], [sflag:s0] =	dma.local @!p0 [spmem:s7], $0x100  }
.Ltmp1:
0x1c: {  	_ = 	snop;
	(pc) =	sbr.rel @!p1 .LBB2_11-.Ltmp1, $4  }
0x1d: {  	s0 =	simm.s32 @!p0 $0x5  }
0x1e: {  	_ =	swait.ge @!p0 [sflag:s0], $0x100  }
0x1f: {  	[sflag:s0] =	ssyncset.done @!p0 $0x0  }
0x20: {  	[sflag:s0] =	ssyncadd.s32 @!p0 $0xFFFFFF00  }
.LBB2_1:
0x21: {  	s0 =	simm.s32 $0x0;
	s4 =	simm.s32 $0x200  }
.LBB2_2:
0x22: {  	p1 =	sne.s32 s4, $0xFE00;
	[tilespmem:s0+$0x470] =	vst v0  }
0x23: {  	[tilespmem:s0+$0x400] =	vst v0  }
0x24: {  	[tilespmem:s0+$0x410] =	vst v0  }
.Ltmp2:
0x25: {  	[tilespmem:s0+$0x420] =	vst v0;
	(pc) =	sbr.rel @p1 .LBB2_2-.Ltmp2, $4  }
0x26: {  	[tilespmem:s0+$0x430] =	vst v0  }
0x27: {  	[tilespmem:s0+$0x440] =	vst v0  }
0x28: {  	[tilespmem:s0+$0x450] =	vst v0  }
0x29: {  	[tilespmem:s0+$0x460] =	vst v0;
	s0 =	sshra.s32 s4, $0x2;
	s4 =	sadd.s32 $0x200, s4  }
0x2a: {  	[tilespmem:s0+$0x470] =	vst v0  }
0x2b: {  	[tilespmem:s0+$0x400] =	vst v0  }
0x2c: {  	[tilespmem:s0+$0x410] =	vst v0  }
0x2d: {  	[tilespmem:s0+$0x420] =	vst v0  }
0x2e: {  	[tilespmem:s0+$0x430] =	vst v0  }
0x2f: {  	[tilespmem:s0+$0x440] =	vst v0  }
0x30: {  	[tilespmem:s0+$0x450] =	vst v0  }
0x31: {  	[tilespmem:s0+$0x460] =	vst v0  }
0x32: {  	[spmem:s6] =	stream.linear.scatter [tilespmem:s18], [sflag:$0x5], $0x4000, $0x38;
	[tilespmem:$0x1BC80] =	vst v63  }
0x33: {  	_ =	swait.ge [sflag:s19], $0x4000  }
0x34: {  	[sflag:s19] =	ssyncset.done $0x0  }
0x35: {  	s7 =	rddreg [dreg:$0x4];
	[sflag:s19] =	ssyncadd.s32 $0xFFFFC000  }
0x36: {  	[spmem:s7] =	stream.linear.scatter [tilespmem:s18], [sflag:$0x5], $0x4000, $0x38;
	[tilespmem:$0x1BC80] =	vst v63  }
0x37: {  	_ =	swait.ge [sflag:s19], $0x4000  }
0x38: {  	[sflag:s19] =	ssyncset.done $0x0  }
0x39: {  	s8 =	rddreg [dreg:$0x5];
	[sflag:s19] =	ssyncadd.s32 $0xFFFFC000  }
0x3a: {  	[spmem:s8] =	stream.linear.scatter [tilespmem:s18], [sflag:$0x5], $0x4000, $0x38;
	[tilespmem:$0x1BC80] =	vst v63  }
0x3b: {  	_ =	swait.ge [sflag:s19], $0x4000  }
0x3c: {  	[sflag:s19] =	ssyncset.done $0x0  }
0x3d: {  	s9 =	rddreg [dreg:$0x6];
	[sflag:s19] =	ssyncadd.s32 $0xFFFFC000  }
0x3e: {  	[spmem:s9] =	stream.linear.scatter [tilespmem:s18], [sflag:$0x5], $0x4000, $0x38;
	[tilespmem:$0x1BC80] =	vst v63  }
0x3f: {  	_ =	swait.ge [sflag:s19], $0x4000  }
0x40: {  	[sflag:s19] =	ssyncset.done $0x0  }
0x41: {  	s11 =	rddreg [dreg:$0x7];
	[sflag:s19] =	ssyncadd.s32 $0xFFFFC000  }
0x42: {  	[spmem:s11] =	stream.linear.scatter [tilespmem:s18], [sflag:$0x5], $0x3800, $0x38;
	[tilespmem:$0x1BC80] =	vst v63  }
0x43: {  	_ =	swait.ge [sflag:s19], $0x3800  }
0x44: {  	[sflag:s19] =	ssyncset.done $0x0  }
0x45: {  	s0 =	simm.s32 @!p0 $0x400;
	[sflag:s19] =	ssyncadd.s32 $0xFFFFC800  }
0x46: {  	[spmem:s12] =	stream.linear.scatter @!p0 [tilespmem:s0], [sflag:$0x5], $0x800, $0x38;
	[tilespmem:$0x1BC80] =	vst v63  }
0x47: {  	s0 =	simm.s32 @!p0 $0x5  }
0x48: {  	_ =	swait.ge @!p0 [sflag:s0], $0x800  }
0x49: {  	[sflag:s0] =	ssyncset.done @!p0 $0x0  }
0x4a: {  	[sflag:s0] =	ssyncadd.s32 @!p0 $0xFFFFF800  }
0x4b: {  	[bflag:$0x0] =	sbarrier.arrive $0xFFFF  }
0x4c: {  	[tilespmem:s31], [sflag:$0x1] =	stream.linear.gather [hbm4b:s10+s31], $0x180, $0x38;
	[tilespmem:$0x1BC80] =	vst v63  }
0x4d: {  	_ =	swait.ge [sflag:s20], $0x180  }
0x4e: {  	[sflag:s20] =	ssyncset.done $0x0  }
0x4f: {  	[sflag:s20] =	ssyncadd.s32 $0xFFFFFE80  }
0x50: {  	[tilespmem:s18], [sflag:$0x3] =	stream.indirect.gather [hbm4b:s1+s21], $0x80, s31, s21, $0xb8;
	[tilespmem:$0x1BC80] =	vst v63  }
0x51: {  	s0 =	simm.s32 $0x0  }
0x52: {  	[tilespmem:s22], [sflag:$0x2] =	stream.linear.gather [hbm4b:s13+s31], $0x180, $0x38;
	[tilespmem:$0x1BC80] =	vst v63  }
.LBB2_4:
0x53: {  	_ =	swait.ge [sflag:s23], $0x180  }
0x54: {  	[sflag:s23] =	ssyncset.done $0x0  }
0x55: {  	[sflag:s23] =	ssyncadd.s32 $0xFFFFFE80  }
0x56: {  	[tilespmem:s24], [sflag:$0x4] =	stream.indirect.gather [hbm4b:s1+s21], $0x80, s22, s21, $0xb8;
	[tilespmem:$0x1BC80] =	vst v63  }
0x57: {  	_ =	swait.ge [sflag:s26], $0x4000  }
0x58: {  	s4 =	simm.s32 $0x1;
	[sflag:s26] =	ssyncset.done $0x0  }
0x59: {  	v1 =	vmov s31;
	s9 =	simm.s32 $0x7;
	v2 =	vmov s4;
	s4 =	simm.s32 $0x600;
	[sflag:s26] =	ssyncadd.s32 $0xFFFFC000  }
0x5a: {  	v1 =	vand.u32 $0x78, v1;
	v3 =	vmov s9;
	v5 =	vld [tilespmem:s4+$0xFFFFFE10]  }
0x5b: {  	v1 =	vor.u32 $0x100, v1;
	v3 =	vand.u32 $0x7F, v3;
	v6 =	vld [tilespmem:s4+$0xFFFFFE20]  }
0x5c: {  	v1 =	vbroadcast v1, $0x0;
	v3 =	vor.u32 $0x100, v3;
	v7 =	vld [tilespmem:s4+$0xFFFFFE30]  }
0x5d: {  	v3 =	vbroadcast v3, $0x0;
	v8 =	vld [tilespmem:s4+$0xFFFFFE40]  }
0x5e: {  	v9 =	vld [tilespmem:s4+$0xFFFFFE50]  }
0x5f: {  	v10 =	vld [tilespmem:s4+$0xFFFFFE60]  }
0x60: {  	v2 =	vand.u32 $0x79, v2;
	v12 =	vld [tilespmem:s4+$0x1F0]  }
0x61: {  	v2 =	vor.u32 $0x100, v2;
	v13 =	vld [tilespmem:s4+$0xFFFFFE80]  }
0x62: {  	v2 =	vbroadcast v2, $0x0;
	v4 =	vld.idx.msk [tilespmem:v1+s3+$0x0], $0xffff  }
0x63: {  	v1 =	vld.idx.msk [tilespmem:v3+s3+$0x0], $0xffff  }
0x64: {  	v3 =	vld [tilespmem:s4+$0xFFFFFE00]  }
0x65: {  	v14 =	vld [tilespmem:s4+$0xFFFFFE90]  }
0x66: {  	v15 =	vld [tilespmem:s4+$0xFFFFFEA0]  }
0x67: {  	v16 =	vld [tilespmem:s4+$0xFFFFFEB0];
	v5 =	vmul.f32 v4, v5  }
0x68: {  	v2 =	vld.idx.msk [tilespmem:v2+s3+$0x0], $0xffff;
	v6 =	vmul.f32 v4, v6  }
0x69: {  	s7 =	simm.s32 $0x2;
	v17 =	vld [tilespmem:s4+$0xFFFFFEC0];
	v3 =	vmul.f32 v4, v3;
	[tilespmem:s4+$0xFFFFFE10] =	vst v5  }
0x6a: {  	v11 =	vmov s7;
	v7 =	vmul.f32 v4, v7;
	v5 =	vld [tilespmem:s4+$0xFFFFFEE0];
	[tilespmem:s4+$0xFFFFFE20] =	vst v6  }
0x6b: {  	v12 =	vmul.f32 v1, v12;
	v6 =	vmul.f32 v4, v8;
	v8 =	vld [tilespmem:s4+$0xFFFFFEF0];
	[tilespmem:s4+$0xFFFFFE00] =	vst v3;
	v3 =	vand.u32 $0x7A, v11  }
0x6c: {  	[tilespmem:s4+$0xFFFFFE30] =	vst v7;
	v7 =	vmul.f32 v4, v9;
	v11 =	vld [tilespmem:s4+$0xFFFFFE70];
	v3 =	vor.u32 $0x100, v3  }
0x6d: {  	v9 =	vld [tilespmem:s4+$0xFFFFFF00];
	[tilespmem:s4+$0x1F0] =	vst v12;
	v12 =	vmul.f32 v2, v13;
	v3 =	vbroadcast v3, $0x0  }
0x6e: {  	s11 =	simm.s32 $0x3;
	v13 =	vld [tilespmem:s4+$0xFFFFFED0];
	[tilespmem:s4+$0xFFFFFE40] =	vst v6  }
0x6f: {  	v6 =	vmul.f32 v4, v10;
	v10 =	vld [tilespmem:s4+$0xFFFFFF10];
	[tilespmem:s4+$0xFFFFFE80] =	vst v12;
	v12 =	vmov s11  }
0x70: {  	v17 =	vmul.f32 v2, v17;
	[tilespmem:s4+$0xFFFFFE50] =	vst v7;
	v7 =	vld [tilespmem:s4+$0xFFFFFF20];
	v12 =	vand.u32 $0x7B, v12  }
0x71: {  	[tilespmem:s4+$0xFFFFFE60] =	vst v6;
	v6 =	vmul.f32 v2, v14;
	v14 =	vld [tilespmem:s4+$0xFFFFFF40];
	v12 =	vor.u32 $0x100, v12;
	v4 =	vmul.f32 v4, v11  }
0x72: {  	v5 =	vmul.f32 v2, v5;
	v12 =	vbroadcast v12, $0x0;
	v11 =	vld [tilespmem:s4+$0xFFFFFF30]  }
0x73: {  	v13 =	vmul.f32 v2, v13;
	[tilespmem:s4+$0xFFFFFE70] =	vst v4;
	v4 =	vmul.f32 v2, v15;
	v3 =	vld.idx.msk [tilespmem:v3+s3+$0x0], $0xffff  }
0x74: {  	[tilespmem:s4+$0xFFFFFE90] =	vst v6;
	v15 =	vmul.f32 v2, v16;
	v2 =	vmul.f32 v2, v8;
	v8 =	vld [tilespmem:s4+$0xFFFFFF90]  }
0x75: {  	[tilespmem:s4+$0xFFFFFED0] =	vst v13;
	v13 =	vld [tilespmem:s4+$0xFFFFFFD0]  }
0x76: {  	[tilespmem:s4+$0xFFFFFEA0] =	vst v4;
	v4 =	vld [tilespmem:s4+$0xFFFFFF60]  }
0x77: {  	[tilespmem:s4+$0xFFFFFEB0] =	vst v15;
	v15 =	vld [tilespmem:s4+$0xFFFFFF70]  }
0x78: {  	[tilespmem:s4+$0xFFFFFEE0] =	vst v5;
	v12 =	vld.idx.msk [tilespmem:v12+s3+$0x0], $0xffff;
	v6 =	vmul.f32 v3, v9  }
0x79: {  	s8 =	simm.s32 $0x4;
	[tilespmem:s4+$0xFFFFFEF0] =	vst v2;
	v9 =	vld [tilespmem:s4+$0xFFFFFF50];
	v5 =	vmul.f32 v3, v10  }
0x7a: {  	v16 =	vmov s8;
	v10 =	vld [tilespmem:s4+$0xFFFFFFA0];
	v2 =	vmul.f32 v3, v7;
	[tilespmem:s4+$0xFFFFFF00] =	vst v6  }
0x7b: {  	v14 =	vmul.f32 v3, v14;
	v6 =	vand.u32 $0x7C, v16;
	v16 =	vld [tilespmem:s4+$0xFFFFFF80];
	[tilespmem:s4+$0xFFFFFF10] =	vst v5  }
0x7c: {  	v7 =	vld [tilespmem:s4+$0xFFFFFFB0];
	v4 =	vmul.f32 v3, v4;
	[tilespmem:s4+$0xFFFFFF20] =	vst v2;
	v6 =	vor.u32 $0x100, v6  }
0x7d: {  	v5 =	vmul.f32 v3, v11;
	v11 =	vld [tilespmem:s4+$0xFFFFFFC0];
	[tilespmem:s4+$0xFFFFFF40] =	vst v14;
	v6 =	vbroadcast v6, $0x0  }
0x7e: {  	v14 =	vld [tilespmem:s4+$0xFFFFFFF0];
	[tilespmem:s4+$0xFFFFFF60] =	vst v4;
	v4 =	vmul.f32 v12, v8  }
0x7f: {  	v8 =	vld [tilespmem:s4+$0x10];
	[tilespmem:s4+$0xFFFFFF30] =	vst v5;
	v9 =	vmul.f32 v3, v9  }
0x80: {  	s9 =	simm.s32 $0x5;
	v5 =	vld [tilespmem:s4+$0xFFFFFFE0];
	[tilespmem:s4+$0xFFFFFF90] =	vst v4;
	v2 =	vmul.f32 v12, v16  }
0x81: {  	v3 =	vmul.f32 v3, v15;
	v4 =	vmul.f32 v12, v7;
	v7 =	vld [tilespmem:s4+$0x30];
	v16 =	vmov s9;
	[tilespmem:s4+$0xFFFFFF50] =	vst v9  }
0x82: {  	v13 =	vmul.f32 v12, v13;
	v9 =	vld [tilespmem:s4+$0x0];
	[tilespmem:s4+$0xFFFFFF80] =	vst v2;
	v2 =	vand.u32 $0x7D, v16  }
0x83: {  	[tilespmem:s4+$0xFFFFFF70] =	vst v3;
	v3 =	vmul.f32 v12, v10;
	v6 =	vld.idx.msk [tilespmem:v6+s3+$0x0], $0xffff;
	v2 =	vor.u32 $0x100, v2  }
0x84: {  	[tilespmem:s4+$0xFFFFFFD0] =	vst v13;
	v13 =	vld [tilespmem:s4+$0x70];
	v2 =	vbroadcast v2, $0x0  }
0x85: {  	v10 =	vld [tilespmem:s4+$0x20];
	[tilespmem:s4+$0xFFFFFFA0] =	vst v3;
	v3 =	vmul.f32 v12, v11  }
0x86: {  	[tilespmem:s4+$0xFFFFFFB0] =	vst v4;
	v11 =	vld [tilespmem:s4+$0x40];
	v5 =	vmul.f32 v12, v5;
	v12 =	vmul.f32 v12, v14  }
0x87: {  	[tilespmem:s4+$0xFFFFFFC0] =	vst v3;
	v3 =	vld [tilespmem:s4+$0x60]  }
0x88: {  	s11 =	simm.s32 $0x6;
	[tilespmem:s4+$0xFFFFFFF0] =	vst v12;
	v12 =	vld [tilespmem:s4+$0x90];
	v4 =	vmul.f32 v6, v9  }
0x89: {  	v15 =	vmov s11;
	[tilespmem:s4+$0xFFFFFFE0] =	vst v5;
	v9 =	vld [tilespmem:s4+$0x50];
	v5 =	vmul.f32 v6, v8  }
0x8a: {  	v10 =	vmul.f32 v6, v10;
	v2 =	vld.idx.msk [tilespmem:v2+s3+$0x0], $0xffff;
	[tilespmem:s4+$0x0] =	vst v4;
	v4 =	vand.u32 $0x7E, v15  }
0x8b: {  	v8 =	vld [tilespmem:s4+$0x80];
	[tilespmem:s4+$0x10] =	vst v5;
	v5 =	vmul.f32 v6, v7;
	v4 =	vor.u32 $0x100, v4  }
0x8c: {  	[tilespmem:s4+$0x20] =	vst v10;
	v10 =	vmul.f32 v6, v11;
	v11 =	vld [tilespmem:s4+$0xB0];
	v4 =	vbroadcast v4, $0x0  }
0x8d: {  	v3 =	vmul.f32 v6, v3;
	v7 =	vld [tilespmem:s4+$0xA0];
	[tilespmem:s4+$0x30] =	vst v5  }
0x8e: {  	[tilespmem:s4+$0x40] =	vst v10;
	v10 =	vld [tilespmem:s4+$0xD0];
	v5 =	vmul.f32 v6, v9  }
0x8f: {  	[tilespmem:s4+$0x60] =	vst v3;
	v9 =	vld [tilespmem:s4+$0xC0];
	v3 =	vmul.f32 v2, v12  }
0x90: {  	[tilespmem:s4+$0x50] =	vst v5;
	v5 =	vld [tilespmem:s4+$0xE0]  }
0x91: {  	[tilespmem:s4+$0x90] =	vst v3;
	v3 =	vmul.f32 v2, v11;
	v11 =	vld [tilespmem:s4+$0x110]  }
0x92: {  	v16 =	vld.idx.msk [tilespmem:v4+s3+$0x0], $0xffff  }
0x93: {  	[tilespmem:s4+$0xFFFFFEC0] =	vst v17;
	v4 =	vmul.f32 v6, v13;
	v6 =	vld [tilespmem:s4+$0xF0]  }
0x94: {  	s9 =	simm.s32 $0x9;
	v8 =	vmul.f32 v2, v8;
	[tilespmem:s4+$0xB0] =	vst v3;
	v3 =	vmul.f32 v2, v10;
	v10 =	vld [tilespmem:s4+$0x130]  }
0x95: {  	s8 =	simm.s32 $0x8;
	v12 =	vmov s9;
	s9 =	simm.s32 $0xD;
	[tilespmem:s4+$0x70] =	vst v4;
	v4 =	vmul.f32 v2, v7;
	v7 =	vld [tilespmem:s4+$0x100]  }
0x96: {  	v17 =	vmov s9;
	[tilespmem:s4+$0x80] =	vst v8;
	v8 =	vmov s8;
	s8 =	simm.s32 $0xB  }
0x97: {  	s11 =	simm.s32 $0xA;
	v8 =	vand.u32 $0x78, v8;
	v14 =	vmov s8;
	s8 =	simm.s32 $0xC;
	[tilespmem:s4+$0xA0] =	vst v4;
	v4 =	vmul.f32 v2, v9;
	v9 =	vld [tilespmem:s4+$0x120]  }
0x98: {  	v13 =	vmov s11;
	v15 =	vmov s8;
	[tilespmem:s4+$0xD0] =	vst v3;
	v11 =	vmul.f32 v16, v11  }
0x99: {  	s11 =	simm.s32 $0xE;
	v8 =	vor.u32 $0x100, v8;
	[tilespmem:s4+$0xC0] =	vst v4;
	v4 =	vmul.f32 v2, v5;
	v5 =	vld [tilespmem:s4+$0x140];
	v2 =	vmul.f32 v2, v6  }
0x9a: {  	v18 =	vld [tilespmem:s4+$0x150];
	v6 =	vmov s11;
	v10 =	vmul.f32 v16, v10;
	v3 =	vmul.f32 v16, v7;
	[tilespmem:s4+$0x110] =	vst v11  }
0x9b: {  	v19 =	vld [tilespmem:s4+$0x160];
	v7 =	vand.u32 $0x79, v12;
	v12 =	vand.u32 $0x7A, v13;
	v13 =	vand.u32 $0x7C, v15;
	[tilespmem:s4+$0xE0] =	vst v4  }
0x9c: {  	v15 =	vand.u32 $0x7E, v6;
	[tilespmem:s4+$0xF0] =	vst v2;
	v2 =	vand.u32 $0x7D, v17;
	v17 =	vld [tilespmem:s4+$0x170];
	v9 =	vmul.f32 v16, v9  }
0x9d: {  	v6 =	vld [tilespmem:s4+$0x180];
	v4 =	vand.u32 $0x7B, v14;
	v11 =	vor.u32 $0x100, v12;
	v13 =	vor.u32 $0x100, v13;
	[tilespmem:s4+$0x100] =	vst v3  }
0x9e: {  	v3 =	vbroadcast v8, $0x0;
	v8 =	vor.u32 $0x100, v7;
	v7 =	vld [tilespmem:s4+$0x190];
	[tilespmem:s4+$0x120] =	vst v9;
	v9 =	vmul.f32 v16, v5  }
0x9f: {  	[tilespmem:s4+$0x130] =	vst v10;
	v10 =	vmul.f32 v16, v18;
	v20 =	vor.u32 $0x100, v4;
	v4 =	vbroadcast v8, $0x0;
	v8 =	vld [tilespmem:s4+$0x1A0]  }
0xa0: {  	v12 =	vmul.f32 v16, v19;
	v15 =	vor.u32 $0x100, v15;
	v5 =	vbroadcast v11, $0x0;
	[tilespmem:s4+$0x140] =	vst v9;
	v9 =	vld [tilespmem:s4+$0x1B0]  }
0xa1: {  	s7 =	simm.s32 $0x10;
	s8 =	simm.s32 $0xF;
	v14 =	vor.u32 $0x100, v2;
	[tilespmem:s4+$0x150] =	vst v10;
	v10 =	vld [tilespmem:s4+$0x1C0];
	v11 =	vbroadcast v20, $0x0;
	v2 =	vmul.f32 v16, v17  }
.LBB2_5:
0xa2: {  	p1 =	slt.u32 s7, $0x78;
	v13 =	vbroadcast v13, $0x0;
	v16 =	vmov s8;
	[tilespmem:s4+$0x160] =	vst v12;
	v6 =	vmul.f32 v1, v6;
	v12 =	vld [tilespmem:s4+$0x1D0]  }
0xa3: {  	v14 =	vbroadcast v14, $0x0;
	v16 =	vand.u32 $0x7F, v16;
	[tilespmem:s4+$0x170] =	vst v2;
	v2 =	vmul.f32 v1, v7;
	v7 =	vld [tilespmem:s4+$0x1E0]  }
0xa4: {  	v15 =	vbroadcast v15, $0x0;
	v17 =	vld.idx.msk [tilespmem:v3+s3+$0x0], $0xffff;
	v3 =	vor.u32 $0x100, v16;
	[tilespmem:s4+$0x180] =	vst v6;
	v6 =	vmul.f32 v1, v8  }
0xa5: {  	v8 =	vld.idx.msk [tilespmem:v4+s3+$0x0], $0xffff;
	v16 =	vbroadcast v3, $0x0;
	[tilespmem:s4+$0x190] =	vst v2;
	v2 =	vmul.f32 v1, v9  }
0xa6: {  	v9 =	vld.idx.msk [tilespmem:v5+s3+$0x0], $0xffff;
	[tilespmem:s4+$0x1A0] =	vst v6;
	v3 =	vmul.f32 v1, v10  }
0xa7: {  	v5 =	vld.idx.msk [tilespmem:v11+s3+$0x0], $0xffff;
	[tilespmem:s4+$0x1B0] =	vst v2;
	v2 =	vmul.f32 v1, v12  }
0xa8: {  	v4 =	vld.idx.msk [tilespmem:v13+s3+$0x0], $0xffff;
	[tilespmem:s4+$0x1C0] =	vst v3;
	v1 =	vmul.f32 v1, v7  }
0xa9: {  	v3 =	vld.idx.msk [tilespmem:v14+s3+$0x0], $0xffff;
	[tilespmem:s4+$0x1D0] =	vst v2  }
0xaa: {  	v2 =	vld.idx.msk [tilespmem:v15+s3+$0x0], $0xffff;
	[tilespmem:s4+$0x1E0] =	vst v1  }
0xab: {  	s4 =	sadd.s32 $0x400, s4;
	v1 =	vld.idx.msk [tilespmem:v16+s3+$0x0], $0xffff  }
0xac: {  	v6 =	vld [tilespmem:s4+$0x1F0]  }
0xad: {  	v7 =	vld [tilespmem:s4+$0xFFFFFE00]  }
0xae: {  	v10 =	vld [tilespmem:s4+$0xFFFFFE10]  }
0xaf: {  	v11 =	vld [tilespmem:s4+$0xFFFFFE20]  }
0xb0: {  	v12 =	vld [tilespmem:s4+$0xFFFFFE30]  }
0xb1: {  	v13 =	vld [tilespmem:s4+$0xFFFFFE40];
	v6 =	vmul.f32 v1, v6  }
0xb2: {  	v7 =	vmul.f32 v17, v7;
	v14 =	vld [tilespmem:s4+$0xFFFFFE50]  }
0xb3: {  	v10 =	vmul.f32 v17, v10;
	v15 =	vld [tilespmem:s4+$0xFFFFFE60];
	[tilespmem:s4+$0x1F0] =	vst v6  }
0xb4: {  	[tilespmem:s4+$0xFFFFFE00] =	vst v7;
	v6 =	vmul.f32 v17, v11;
	v7 =	vld [tilespmem:s4+$0xFFFFFE70]  }
0xb5: {  	[tilespmem:s4+$0xFFFFFE10] =	vst v10;
	v10 =	vmul.f32 v17, v12;
	v11 =	vld [tilespmem:s4+$0xFFFFFE80]  }
0xb6: {  	[tilespmem:s4+$0xFFFFFE20] =	vst v6;
	v6 =	vmul.f32 v17, v13;
	v12 =	vld [tilespmem:s4+$0xFFFFFE90]  }
0xb7: {  	[tilespmem:s4+$0xFFFFFE30] =	vst v10;
	v10 =	vmul.f32 v17, v14;
	v13 =	vld [tilespmem:s4+$0xFFFFFEA0]  }
0xb8: {  	[tilespmem:s4+$0xFFFFFE40] =	vst v6;
	v6 =	vmul.f32 v17, v15;
	v14 =	vld [tilespmem:s4+$0xFFFFFEB0]  }
0xb9: {  	[tilespmem:s4+$0xFFFFFE50] =	vst v10;
	v7 =	vmul.f32 v17, v7;
	v10 =	vld [tilespmem:s4+$0xFFFFFEC0]  }
0xba: {  	[tilespmem:s4+$0xFFFFFE60] =	vst v6;
	v6 =	vmul.f32 v8, v11;
	v11 =	vld [tilespmem:s4+$0xFFFFFED0]  }
0xbb: {  	[tilespmem:s4+$0xFFFFFE70] =	vst v7;
	v7 =	vmul.f32 v8, v12;
	v12 =	vld [tilespmem:s4+$0xFFFFFEE0]  }
0xbc: {  	[tilespmem:s4+$0xFFFFFE80] =	vst v6;
	v6 =	vmul.f32 v8, v13;
	v13 =	vld [tilespmem:s4+$0xFFFFFEF0]  }
0xbd: {  	[tilespmem:s4+$0xFFFFFE90] =	vst v7;
	v7 =	vmul.f32 v8, v14;
	v14 =	vld [tilespmem:s4+$0xFFFFFF00]  }
0xbe: {  	[tilespmem:s4+$0xFFFFFEA0] =	vst v6;
	v6 =	vmul.f32 v8, v10;
	v10 =	vld [tilespmem:s4+$0xFFFFFF10]  }
0xbf: {  	[tilespmem:s4+$0xFFFFFEB0] =	vst v7;
	v7 =	vmul.f32 v8, v11;
	v11 =	vld [tilespmem:s4+$0xFFFFFF20]  }
0xc0: {  	[tilespmem:s4+$0xFFFFFEC0] =	vst v6;
	v6 =	vmul.f32 v8, v12;
	v12 =	vld [tilespmem:s4+$0xFFFFFF30]  }
0xc1: {  	[tilespmem:s4+$0xFFFFFED0] =	vst v7;
	v7 =	vmul.f32 v8, v13;
	v8 =	vld [tilespmem:s4+$0xFFFFFF40]  }
0xc2: {  	[tilespmem:s4+$0xFFFFFEE0] =	vst v6;
	v6 =	vmul.f32 v9, v14;
	v13 =	vld [tilespmem:s4+$0xFFFFFF50]  }
0xc3: {  	[tilespmem:s4+$0xFFFFFEF0] =	vst v7;
	v7 =	vmul.f32 v9, v10;
	v10 =	vld [tilespmem:s4+$0xFFFFFF60]  }
0xc4: {  	[tilespmem:s4+$0xFFFFFF00] =	vst v6;
	v6 =	vmul.f32 v9, v11;
	v11 =	vld [tilespmem:s4+$0xFFFFFF70]  }
0xc5: {  	[tilespmem:s4+$0xFFFFFF10] =	vst v7;
	v7 =	vmul.f32 v9, v12;
	v12 =	vld [tilespmem:s4+$0xFFFFFF80]  }
0xc6: {  	[tilespmem:s4+$0xFFFFFF20] =	vst v6;
	v6 =	vmul.f32 v9, v8;
	v8 =	vld [tilespmem:s4+$0xFFFFFF90]  }
0xc7: {  	[tilespmem:s4+$0xFFFFFF30] =	vst v7;
	v7 =	vmul.f32 v9, v13;
	v13 =	vld [tilespmem:s4+$0xFFFFFFA0]  }
0xc8: {  	[tilespmem:s4+$0xFFFFFF40] =	vst v6;
	v6 =	vmul.f32 v9, v10;
	v10 =	vld [tilespmem:s4+$0xFFFFFFB0]  }
0xc9: {  	[tilespmem:s4+$0xFFFFFF50] =	vst v7;
	v7 =	vmul.f32 v9, v11;
	v9 =	vld [tilespmem:s4+$0xFFFFFFC0]  }
0xca: {  	[tilespmem:s4+$0xFFFFFF60] =	vst v6;
	v6 =	vmul.f32 v5, v12;
	v11 =	vld [tilespmem:s4+$0xFFFFFFD0]  }
0xcb: {  	[tilespmem:s4+$0xFFFFFF70] =	vst v7;
	v7 =	vmul.f32 v5, v8;
	v8 =	vld [tilespmem:s4+$0xFFFFFFE0]  }
0xcc: {  	[tilespmem:s4+$0xFFFFFF80] =	vst v6;
	v6 =	vmul.f32 v5, v13;
	v12 =	vld [tilespmem:s4+$0xFFFFFFF0]  }
0xcd: {  	[tilespmem:s4+$0xFFFFFF90] =	vst v7;
	v7 =	vmul.f32 v5, v10;
	v10 =	vld [tilespmem:s4+$0x0]  }
0xce: {  	[tilespmem:s4+$0xFFFFFFA0] =	vst v6;
	v6 =	vmul.f32 v5, v9;
	v9 =	vld [tilespmem:s4+$0x10]  }
0xcf: {  	[tilespmem:s4+$0xFFFFFFB0] =	vst v7;
	v7 =	vmul.f32 v5, v11;
	v11 =	vld [tilespmem:s4+$0x20]  }
0xd0: {  	[tilespmem:s4+$0xFFFFFFC0] =	vst v6;
	v6 =	vmul.f32 v5, v8;
	v8 =	vld [tilespmem:s4+$0x30]  }
0xd1: {  	[tilespmem:s4+$0xFFFFFFD0] =	vst v7;
	v5 =	vmul.f32 v5, v12;
	v7 =	vld [tilespmem:s4+$0x40]  }
0xd2: {  	[tilespmem:s4+$0xFFFFFFE0] =	vst v6;
	v6 =	vmul.f32 v4, v10;
	v10 =	vld [tilespmem:s4+$0x50]  }
0xd3: {  	[tilespmem:s4+$0xFFFFFFF0] =	vst v5;
	v5 =	vmul.f32 v4, v9;
	v9 =	vld [tilespmem:s4+$0x60]  }
0xd4: {  	[tilespmem:s4+$0x0] =	vst v6;
	v6 =	vmul.f32 v4, v11;
	v11 =	vld [tilespmem:s4+$0x70]  }
0xd5: {  	[tilespmem:s4+$0x10] =	vst v5;
	v5 =	vmul.f32 v4, v8;
	v8 =	vld [tilespmem:s4+$0x80]  }
0xd6: {  	[tilespmem:s4+$0x20] =	vst v6;
	v6 =	vmul.f32 v4, v7;
	v7 =	vld [tilespmem:s4+$0x90]  }
0xd7: {  	[tilespmem:s4+$0x30] =	vst v5;
	v5 =	vmul.f32 v4, v10;
	v10 =	vld [tilespmem:s4+$0xA0]  }
0xd8: {  	[tilespmem:s4+$0x40] =	vst v6;
	v6 =	vmul.f32 v4, v9;
	v9 =	vld [tilespmem:s4+$0xB0]  }
0xd9: {  	[tilespmem:s4+$0x50] =	vst v5;
	v4 =	vmul.f32 v4, v11;
	v5 =	vld [tilespmem:s4+$0xC0]  }
0xda: {  	[tilespmem:s4+$0x60] =	vst v6;
	v6 =	vmul.f32 v3, v8;
	v8 =	vld [tilespmem:s4+$0xD0]  }
0xdb: {  	[tilespmem:s4+$0x70] =	vst v4;
	v4 =	vmul.f32 v3, v7;
	v7 =	vld [tilespmem:s4+$0xE0]  }
0xdc: {  	[tilespmem:s4+$0x80] =	vst v6;
	v6 =	vmul.f32 v3, v10;
	v10 =	vld [tilespmem:s4+$0xF0]  }
0xdd: {  	s8 =	sadd.s32 $0x1, s7;
	v11 =	vmov s7;
	[tilespmem:s4+$0x90] =	vst v4;
	v4 =	vmul.f32 v3, v9;
	v9 =	vld [tilespmem:s4+$0x100]  }
0xde: {  	s9 =	sadd.s32 $0x3, s7;
	v12 =	vmov s8;
	s8 =	sadd.s32 $0x2, s7;
	v11 =	vand.u32 $0x78, v11;
	[tilespmem:s4+$0xA0] =	vst v6;
	v5 =	vmul.f32 v3, v5;
	v6 =	vld [tilespmem:s4+$0x110]  }
0xdf: {  	v14 =	vmov s9;
	s9 =	sadd.s32 $0x5, s7;
	v13 =	vmov s8;
	s8 =	sadd.s32 $0x4, s7;
	[tilespmem:s4+$0xB0] =	vst v4;
	v4 =	vmul.f32 v3, v8;
	v8 =	vld [tilespmem:s4+$0x120]  }
0xe0: {  	v16 =	vmov s9;
	v15 =	vmov s8;
	s8 =	sadd.s32 $0x6, s7;
	[tilespmem:s4+$0xC0] =	vst v5;
	v5 =	vmul.f32 v3, v7;
	v7 =	vld [tilespmem:s4+$0x130]  }
0xe1: {  	v17 =	vmov s8;
	v11 =	vor.u32 $0x100, v11;
	[tilespmem:s4+$0xD0] =	vst v4;
	v3 =	vmul.f32 v3, v10;
	v4 =	vld [tilespmem:s4+$0x140]  }
0xe2: {  	v10 =	vand.u32 $0x79, v12;
	v12 =	vand.u32 $0x7A, v13;
	[tilespmem:s4+$0xE0] =	vst v5;
	v5 =	vmul.f32 v2, v9;
	v9 =	vld [tilespmem:s4+$0x150]  }
0xe3: {  	v13 =	vand.u32 $0x7B, v14;
	v14 =	vand.u32 $0x7C, v15;
	[tilespmem:s4+$0xF0] =	vst v3;
	v6 =	vmul.f32 v2, v6;
	v15 =	vld [tilespmem:s4+$0x160]  }
0xe4: {  	v16 =	vand.u32 $0x7D, v16;
	v17 =	vand.u32 $0x7E, v17;
	[tilespmem:s4+$0x100] =	vst v5;
	v5 =	vmul.f32 v2, v8;
	v18 =	vld [tilespmem:s4+$0x170]  }
.Ltmp3:
0xe5: {  	v3 =	vbroadcast v11, $0x0;
	v8 =	vor.u32 $0x100, v10;
	[tilespmem:s4+$0x110] =	vst v6;
	v10 =	vmul.f32 v2, v7;
	v6 =	vld [tilespmem:s4+$0x180];
	(pc) =	sbr.rel @p1 .LBB2_5-.Ltmp3, $4  }
0xe6: {  	v19 =	vor.u32 $0x100, v13;
	v11 =	vor.u32 $0x100, v12;
	[tilespmem:s4+$0x120] =	vst v5;
	v12 =	vmul.f32 v2, v4;
	v7 =	vld [tilespmem:s4+$0x190]  }
0xe7: {  	v13 =	vor.u32 $0x100, v14;
	v4 =	vbroadcast v8, $0x0;
	[tilespmem:s4+$0x130] =	vst v10;
	v10 =	vmul.f32 v2, v9;
	v8 =	vld [tilespmem:s4+$0x1A0]  }
0xe8: {  	v14 =	vor.u32 $0x100, v16;
	v5 =	vbroadcast v11, $0x0;
	[tilespmem:s4+$0x140] =	vst v12;
	v12 =	vmul.f32 v2, v15;
	v9 =	vld [tilespmem:s4+$0x1B0]  }
0xe9: {  	s8 =	sadd.s32 $0x7, s7;
	s7 =	sadd.s32 $0x8, s7;
	v11 =	vbroadcast v19, $0x0;
	v15 =	vor.u32 $0x100, v17;
	[tilespmem:s4+$0x150] =	vst v10;
	v2 =	vmul.f32 v2, v18;
	v10 =	vld [tilespmem:s4+$0x1C0]  }
0xea: {  	_ =	sdelay $0x1  }
0xeb: {  	v17 =	vld [tilespmem:s4+$0x1D0]  }
0xec: {  	v18 =	vld [tilespmem:s4+$0x1E0]  }
0xed: {  	v16 =	vmov s8;
	v19 =	vld.idx.msk [tilespmem:v3+s3+$0x0], $0xffff  }
0xee: {  	v20 =	vld.idx.msk [tilespmem:v5+s3+$0x0], $0xffff;
	v16 =	vand.u32 $0x7F, v16  }
0xef: {  	v13 =	vbroadcast v13, $0x0;
	v3 =	vbroadcast v15, $0x0;
	s7 =	sadd.s32 $0x400, s4;
	v11 =	vld.idx.msk [tilespmem:v11+s3+$0x0], $0xffff;
	v15 =	vor.u32 $0x100, v16  }
0xf0: {  	[tilespmem:s4+$0x160] =	vst v12;
	v6 =	vmul.f32 v1, v6;
	v12 =	vld [tilespmem:s7+$0xFFFFFE20];
	v15 =	vbroadcast v15, $0x0  }
0xf1: {  	v14 =	vbroadcast v14, $0x0;
	v7 =	vmul.f32 v1, v7;
	v16 =	vld.idx.msk [tilespmem:v4+s3+$0x0], $0xffff  }
0xf2: {  	[tilespmem:s4+$0x180] =	vst v6;
	v6 =	vmul.f32 v1, v8;
	v8 =	vld [tilespmem:s7+$0x1F0]  }
0xf3: {  	[tilespmem:s4+$0x190] =	vst v7;
	v7 =	vmul.f32 v1, v9;
	v9 =	vld [tilespmem:s7+$0xFFFFFE00]  }
0xf4: {  	[tilespmem:s4+$0x1A0] =	vst v6;
	v6 =	vmul.f32 v1, v10;
	v10 =	vld [tilespmem:s7+$0xFFFFFE10]  }
0xf5: {  	v5 =	vld.idx.msk [tilespmem:v13+s3+$0x0], $0xffff  }
0xf6: {  	[tilespmem:s4+$0x170] =	vst v2;
	v2 =	vld.idx.msk [tilespmem:v15+s3+$0x0], $0xffff  }
0xf7: {  	[tilespmem:s4+$0x1B0] =	vst v7;
	v7 =	vmul.f32 v1, v17;
	v4 =	vld.idx.msk [tilespmem:v14+s3+$0x0], $0xffff  }
0xf8: {  	v1 =	vmul.f32 v1, v18;
	v3 =	vld.idx.msk [tilespmem:v3+s3+$0x0], $0xffff;
	[tilespmem:s4+$0x1C0] =	vst v6  }
0xf9: {  	v6 =	vld [tilespmem:s7+$0xFFFFFE30];
	[tilespmem:s4+$0x1D0] =	vst v7  }
0xfa: {  	v7 =	vld [tilespmem:s7+$0xFFFFFE40];
	[tilespmem:s4+$0x1E0] =	vst v1;
	v1 =	vmul.f32 v19, v9  }
0xfb: {  	v9 =	vld [tilespmem:s7+$0xFFFFFE50];
	v8 =	vmul.f32 v2, v8  }
0xfc: {  	v13 =	vld [tilespmem:s7+$0xFFFFFE60];
	v10 =	vmul.f32 v19, v10;
	[tilespmem:s7+$0xFFFFFE00] =	vst v1  }
0xfd: {  	v1 =	vmul.f32 v19, v12;
	[tilespmem:s7+$0x1F0] =	vst v8;
	v8 =	vld [tilespmem:s7+$0xFFFFFE70]  }
0xfe: {  	[tilespmem:s7+$0xFFFFFE10] =	vst v10;
	v6 =	vmul.f32 v19, v6;
	v10 =	vld [tilespmem:s7+$0xFFFFFE80]  }
0xff: {  	[tilespmem:s7+$0xFFFFFE20] =	vst v1;
	v1 =	vmul.f32 v19, v7;
	v7 =	vld [tilespmem:s7+$0xFFFFFE90]  }
0x100: {  	[tilespmem:s7+$0xFFFFFE30] =	vst v6;
	v6 =	vmul.f32 v19, v9;
	v9 =	vld [tilespmem:s7+$0xFFFFFEA0]  }
0x101: {  	v12 =	vld [tilespmem:s7+$0xFFFFFEB0];
	[tilespmem:s7+$0xFFFFFE40] =	vst v1;
	v1 =	vmul.f32 v19, v13  }
0x102: {  	[tilespmem:s7+$0xFFFFFE50] =	vst v6;
	v6 =	vmul.f32 v19, v8;
	v8 =	vld [tilespmem:s7+$0xFFFFFEC0]  }
0x103: {  	[tilespmem:s7+$0xFFFFFE60] =	vst v1;
	v1 =	vmul.f32 v16, v10;
	v10 =	vld [tilespmem:s7+$0xFFFFFED0]  }
0x104: {  	[tilespmem:s7+$0xFFFFFE70] =	vst v6;
	v6 =	vmul.f32 v16, v7;
	v7 =	vld [tilespmem:s7+$0xFFFFFEE0]  }
0x105: {  	[tilespmem:s7+$0xFFFFFE80] =	vst v1;
	v1 =	vmul.f32 v16, v9;
	v9 =	vld [tilespmem:s7+$0xFFFFFEF0]  }
0x106: {  	[tilespmem:s7+$0xFFFFFE90] =	vst v6;
	v6 =	vmul.f32 v16, v12;
	v12 =	vld [tilespmem:s7+$0xFFFFFF00]  }
0x107: {  	[tilespmem:s7+$0xFFFFFEA0] =	vst v1;
	v1 =	vmul.f32 v16, v8;
	v8 =	vld [tilespmem:s7+$0xFFFFFF10]  }
0x108: {  	[tilespmem:s7+$0xFFFFFEB0] =	vst v6;
	v6 =	vmul.f32 v16, v10;
	v10 =	vld [tilespmem:s7+$0xFFFFFF20]  }
0x109: {  	[tilespmem:s7+$0xFFFFFEC0] =	vst v1;
	v1 =	vmul.f32 v16, v7;
	v7 =	vld [tilespmem:s7+$0xFFFFFF30]  }
0x10a: {  	[tilespmem:s7+$0xFFFFFED0] =	vst v6;
	v6 =	vmul.f32 v16, v9;
	v9 =	vld [tilespmem:s7+$0xFFFFFF40]  }
0x10b: {  	[tilespmem:s7+$0xFFFFFEE0] =	vst v1;
	v1 =	vmul.f32 v20, v12;
	v12 =	vld [tilespmem:s7+$0xFFFFFF50]  }
0x10c: {  	[tilespmem:s7+$0xFFFFFEF0] =	vst v6;
	v6 =	vmul.f32 v20, v8;
	v8 =	vld [tilespmem:s7+$0xFFFFFF60]  }
0x10d: {  	[tilespmem:s7+$0xFFFFFF00] =	vst v1;
	v1 =	vmul.f32 v20, v10;
	v10 =	vld [tilespmem:s7+$0xFFFFFF70]  }
0x10e: {  	[tilespmem:s7+$0xFFFFFF10] =	vst v6;
	v6 =	vmul.f32 v20, v7;
	v7 =	vld [tilespmem:s7+$0xFFFFFF80]  }
0x10f: {  	[tilespmem:s7+$0xFFFFFF20] =	vst v1;
	v1 =	vmul.f32 v20, v9;
	v9 =	vld [tilespmem:s7+$0xFFFFFF90]  }
0x110: {  	[tilespmem:s7+$0xFFFFFF30] =	vst v6;
	v6 =	vmul.f32 v20, v12;
	v12 =	vld [tilespmem:s7+$0xFFFFFFA0]  }
0x111: {  	[tilespmem:s7+$0xFFFFFF40] =	vst v1;
	v1 =	vmul.f32 v20, v8;
	v8 =	vld [tilespmem:s7+$0xFFFFFFB0]  }
0x112: {  	[tilespmem:s7+$0xFFFFFF50] =	vst v6;
	v6 =	vmul.f32 v20, v10;
	v10 =	vld [tilespmem:s7+$0xFFFFFFC0]  }
0x113: {  	[tilespmem:s7+$0xFFFFFF60] =	vst v1;
	v1 =	vmul.f32 v11, v7;
	v7 =	vld [tilespmem:s7+$0xFFFFFFD0]  }
0x114: {  	[tilespmem:s7+$0xFFFFFF70] =	vst v6;
	v6 =	vmul.f32 v11, v9;
	v9 =	vld [tilespmem:s7+$0xFFFFFFE0]  }
0x115: {  	[tilespmem:s7+$0xFFFFFF80] =	vst v1;
	v1 =	vmul.f32 v11, v12;
	v12 =	vld [tilespmem:s7+$0xFFFFFFF0]  }
0x116: {  	[tilespmem:s7+$0xFFFFFF90] =	vst v6;
	v6 =	vmul.f32 v11, v8;
	v8 =	vld [tilespmem:s7+$0x0]  }
0x117: {  	[tilespmem:s7+$0xFFFFFFA0] =	vst v1;
	v1 =	vmul.f32 v11, v10;
	v10 =	vld [tilespmem:s7+$0x10]  }
0x118: {  	[tilespmem:s7+$0xFFFFFFB0] =	vst v6;
	v6 =	vmul.f32 v11, v7;
	v7 =	vld [tilespmem:s7+$0x20]  }
0x119: {  	[tilespmem:s7+$0xFFFFFFC0] =	vst v1;
	v1 =	vmul.f32 v11, v9;
	v9 =	vld [tilespmem:s7+$0x30]  }
0x11a: {  	[tilespmem:s7+$0xFFFFFFD0] =	vst v6;
	v6 =	vmul.f32 v11, v12;
	v11 =	vld [tilespmem:s7+$0x40]  }
0x11b: {  	[tilespmem:s7+$0xFFFFFFE0] =	vst v1;
	v1 =	vmul.f32 v5, v8;
	v8 =	vld [tilespmem:s7+$0x50]  }
0x11c: {  	[tilespmem:s7+$0xFFFFFFF0] =	vst v6;
	v6 =	vmul.f32 v5, v10;
	v10 =	vld [tilespmem:s7+$0x60]  }
0x11d: {  	[tilespmem:s7+$0x0] =	vst v1;
	v1 =	vmul.f32 v5, v7;
	v7 =	vld [tilespmem:s7+$0x70]  }
0x11e: {  	[tilespmem:s7+$0x10] =	vst v6;
	v6 =	vmul.f32 v5, v9;
	v9 =	vld [tilespmem:s7+$0x80]  }
0x11f: {  	[tilespmem:s7+$0x20] =	vst v1;
	v1 =	vmul.f32 v5, v11;
	v11 =	vld [tilespmem:s7+$0x90]  }
0x120: {  	[tilespmem:s7+$0x30] =	vst v6;
	v6 =	vmul.f32 v5, v8;
	v8 =	vld [tilespmem:s7+$0xA0]  }
0x121: {  	[tilespmem:s7+$0x40] =	vst v1;
	v1 =	vmul.f32 v5, v10;
	v10 =	vld [tilespmem:s7+$0xB0]  }
0x122: {  	[tilespmem:s7+$0x50] =	vst v6;
	v5 =	vmul.f32 v5, v7;
	v6 =	vld [tilespmem:s7+$0xC0]  }
0x123: {  	v7 =	vld [tilespmem:s7+$0xD0];
	[tilespmem:s7+$0x60] =	vst v1;
	v1 =	vmul.f32 v4, v9  }
0x124: {  	v9 =	vld [tilespmem:s7+$0xE0];
	[tilespmem:s7+$0x70] =	vst v5;
	v5 =	vmul.f32 v4, v11  }
0x125: {  	[tilespmem:s7+$0x80] =	vst v1;
	v1 =	vmul.f32 v4, v8;
	v8 =	vld [tilespmem:s7+$0xF0]  }
0x126: {  	[tilespmem:s7+$0x90] =	vst v5;
	v5 =	vmul.f32 v4, v10;
	v10 =	vld [tilespmem:s7+$0x100]  }
0x127: {  	[tilespmem:s7+$0xA0] =	vst v1;
	v1 =	vmul.f32 v4, v6;
	v6 =	vld [tilespmem:s7+$0x110]  }
0x128: {  	[tilespmem:s7+$0xB0] =	vst v5;
	v5 =	vmul.f32 v4, v7;
	v7 =	vld [tilespmem:s7+$0x120]  }
0x129: {  	[tilespmem:s7+$0xC0] =	vst v1;
	v1 =	vmul.f32 v4, v9;
	v9 =	vld [tilespmem:s7+$0x130]  }
0x12a: {  	[tilespmem:s7+$0xD0] =	vst v5;
	v4 =	vmul.f32 v4, v8;
	v5 =	vld [tilespmem:s7+$0x140]  }
0x12b: {  	v8 =	vld [tilespmem:s7+$0x150];
	[tilespmem:s7+$0xE0] =	vst v1;
	v1 =	vmul.f32 v3, v10  }
0x12c: {  	[tilespmem:s7+$0xF0] =	vst v4;
	v4 =	vmul.f32 v3, v6;
	v6 =	vld [tilespmem:s7+$0x160]  }
0x12d: {  	[tilespmem:s7+$0x100] =	vst v1;
	v1 =	vmul.f32 v3, v7;
	v7 =	vld [tilespmem:s7+$0x170]  }
0x12e: {  	[tilespmem:s7+$0x110] =	vst v4;
	v4 =	vmul.f32 v3, v9;
	v9 =	vld [tilespmem:s7+$0x180]  }
0x12f: {  	[tilespmem:s7+$0x120] =	vst v1;
	v1 =	vmul.f32 v3, v5;
	v5 =	vld [tilespmem:s7+$0x190]  }
0x130: {  	[tilespmem:s7+$0x130] =	vst v4;
	v4 =	vmul.f32 v3, v8;
	v8 =	vld [tilespmem:s7+$0x1A0]  }
0x131: {  	[tilespmem:s7+$0x140] =	vst v1;
	v1 =	vmul.f32 v3, v6;
	v6 =	vld [tilespmem:s7+$0x1B0]  }
0x132: {  	[tilespmem:s7+$0x150] =	vst v4;
	v3 =	vmul.f32 v3, v7;
	v4 =	vld [tilespmem:s7+$0x1C0]  }
0x133: {  	v7 =	vld [tilespmem:s7+$0x1D0];
	[tilespmem:s7+$0x160] =	vst v1;
	v1 =	vmul.f32 v2, v9  }
0x134: {  	[tilespmem:s7+$0x170] =	vst v3;
	v3 =	vmul.f32 v2, v5;
	v5 =	vld [tilespmem:s7+$0x1E0]  }
0x135: {  	[tilespmem:s7+$0x180] =	vst v1;
	v1 =	vmul.f32 v2, v8  }
0x136: {  	[tilespmem:s7+$0x190] =	vst v3;
	v3 =	vmul.f32 v2, v6  }
0x137: {  	[tilespmem:s7+$0x1A0] =	vst v1;
	v1 =	vmul.f32 v2, v4  }
0x138: {  	[tilespmem:s7+$0x1B0] =	vst v3;
	v3 =	vmul.f32 v2, v7  }
0x139: {  	[tilespmem:s7+$0x1C0] =	vst v1;
	v1 =	vmul.f32 v2, v5  }
0x13a: {  	p1 =	seq.s32 s0, $0x27;
	s4 =	sshll.u32 s0, $0x1;
	[tilespmem:s7+$0x1D0] =	vst v3  }
0x13b: {  	s9 =	simm.s32 $0x0;
	s11 =	simm.s32 $0x1;
	[tilespmem:s7+$0x1E0] =	vst v1;
	s7 =	sadd.s32 @!p1 s4, s14  }
0x13c: {  	[spmem:s2] =	stream.indirect.scatter.add.f32 [tilespmem:s18], [sflag:$0x5], $0x80, s21, s21, $0xb8;
	[tilespmem:$0x1BC80] =	vst v63  }
0x13d: {  	s8 =	simm.s32 @!p1 $0x0;
	s7 =	sshll.u32 @!p1 s7, $0x6;
	_ =	swait.ge [sflag:s19], $0x4000  }
0x13e: {  	v2 =	vmov s11;
	s11 =	simm.s32 $0x7;
	s7 =	sand.u32 @!p1 $0x1FFFFF80, s7;
	[sflag:s19] =	ssyncset.done $0x0  }
0x13f: {  	v1 =	vmov s9;
	s9 =	simm.s32 @!p1 $0x1;
	s7 =	sadd.s32 @!p1 s5, s7;
	[sflag:s19] =	ssyncadd.s32 $0xFFFFC000  }
0x140: {  	v1 =	vand.u32 $0x78, v1;
	[tilespmem:s8], [sflag:$0x1] =	stream.linear.gather @!p1 [hbm4b:s7+s8], $0x180, $0x38;
	[tilespmem:$0x1BC80] =	vst v63  }
0x141: {  	v2 =	vand.u32 $0x79, v2;
	v3 =	vmov s11;
	v1 =	vor.u32 $0x100, v1;
	_ =	swait.ge @!p1 [sflag:s9], $0x180  }
0x142: {  	v2 =	vor.u32 $0x100, v2;
	v3 =	vand.u32 $0x7F, v3;
	v1 =	vbroadcast v1, $0x0;
	[sflag:s9] =	ssyncset.done @!p1 $0x0  }
0x143: {  	v2 =	vbroadcast v2, $0x0;
	v3 =	vor.u32 $0x100, v3;
	s7 =	simm.s32 @!p1 $0x80;
	[sflag:s9] =	ssyncadd.s32 @!p1 $0xFFFFFE80;
	s9 =	simm.s32 @!p1 $0x400  }
0x144: {  	v3 =	vbroadcast v3, $0x0;
	[tilespmem:s9], [sflag:$0x3] =	stream.indirect.gather @!p1 [hbm4b:s1+s7], $0x80, s8, s7, $0xb8;
	[tilespmem:$0x1BC80] =	vst v63  }
0x145: {  	_ =	swait.ge [sflag:s28], $0x4000  }
0x146: {  	[sflag:s28] =	ssyncset.done $0x0  }
0x147: {  	[sflag:s28] =	ssyncadd.s32 $0xFFFFC000  }
0x148: {  	v4 =	vld.idx.msk [tilespmem:v1+s22+$0x0], $0xffff  }
0x149: {  	v2 =	vld.idx.msk [tilespmem:v2+s22+$0x0], $0xffff  }
0x14a: {  	s7 =	simm.s32 $0x4600;
	v1 =	vld.idx.msk [tilespmem:v3+s22+$0x0], $0xffff  }
0x14b: {  	v3 =	vld [tilespmem:s7+$0xFFFFFE00]  }
0x14c: {  	v5 =	vld [tilespmem:s7+$0xFFFFFE10]  }
0x14d: {  	v6 =	vld [tilespmem:s7+$0xFFFFFE20]  }
0x14e: {  	v7 =	vld [tilespmem:s7+$0xFFFFFE30]  }
0x14f: {  	v8 =	vld [tilespmem:s7+$0xFFFFFE40]  }
0x150: {  	v9 =	vld [tilespmem:s7+$0xFFFFFE50]  }
0x151: {  	v12 =	vld [tilespmem:s7+$0x1F0]  }
0x152: {  	v10 =	vld [tilespmem:s7+$0xFFFFFE60]  }
0x153: {  	v13 =	vld [tilespmem:s7+$0xFFFFFE80]  }
0x154: {  	v14 =	vld [tilespmem:s7+$0xFFFFFE90]  }
0x155: {  	v15 =	vld [tilespmem:s7+$0xFFFFFEA0];
	v3 =	vmul.f32 v4, v3  }
0x156: {  	s11 =	simm.s32 $0x2;
	v16 =	vld [tilespmem:s7+$0xFFFFFEB0];
	v12 =	vmul.f32 v1, v12  }
0x157: {  	v11 =	vmov s11;
	v17 =	vld [tilespmem:s7+$0xFFFFFEC0];
	v5 =	vmul.f32 v4, v5;
	[tilespmem:s7+$0xFFFFFE00] =	vst v3  }
0x158: {  	v6 =	vmul.f32 v4, v6;
	v3 =	vand.u32 $0x7A, v11;
	v11 =	vld [tilespmem:s7+$0xFFFFFE70];
	[tilespmem:s7+$0x1F0] =	vst v12  }
0x159: {  	v7 =	vmul.f32 v4, v7;
	v12 =	vmul.f32 v2, v13;
	v13 =	vld [tilespmem:s7+$0xFFFFFED0];
	[tilespmem:s7+$0xFFFFFE10] =	vst v5  }
0x15a: {  	v5 =	vld [tilespmem:s7+$0xFFFFFEE0];
	[tilespmem:s7+$0xFFFFFE20] =	vst v6;
	v3 =	vor.u32 $0x100, v3  }
0x15b: {  	v6 =	vmul.f32 v4, v8;
	v8 =	vld [tilespmem:s7+$0xFFFFFEF0];
	[tilespmem:s7+$0xFFFFFE30] =	vst v7;
	v3 =	vbroadcast v3, $0x0  }
0x15c: {  	s9 =	simm.s32 $0x3;
	v7 =	vmul.f32 v4, v9;
	v9 =	vld [tilespmem:s7+$0xFFFFFF00];
	[tilespmem:s7+$0xFFFFFE80] =	vst v12  }
0x15d: {  	v12 =	vmov s9;
	[tilespmem:s7+$0xFFFFFE40] =	vst v6;
	v6 =	vmul.f32 v4, v10;
	v10 =	vld [tilespmem:s7+$0xFFFFFF10]  }
0x15e: {  	v17 =	vmul.f32 v2, v17;
	[tilespmem:s7+$0xFFFFFE50] =	vst v7;
	v7 =	vld [tilespmem:s7+$0xFFFFFF20];
	v12 =	vand.u32 $0x7B, v12  }
0x15f: {  	v12 =	vor.u32 $0x100, v12;
	[tilespmem:s7+$0xFFFFFE60] =	vst v6;
	v6 =	vmul.f32 v2, v14;
	v14 =	vld [tilespmem:s7+$0xFFFFFF40];
	v4 =	vmul.f32 v4, v11  }
0x160: {  	v12 =	vbroadcast v12, $0x0;
	v11 =	vld [tilespmem:s7+$0xFFFFFF30];
	v13 =	vmul.f32 v2, v13  }
0x161: {  	v5 =	vmul.f32 v2, v5;
	[tilespmem:s7+$0xFFFFFE70] =	vst v4;
	v4 =	vmul.f32 v2, v15;
	v3 =	vld.idx.msk [tilespmem:v3+s22+$0x0], $0xffff  }
0x162: {  	[tilespmem:s7+$0xFFFFFE90] =	vst v6;
	v15 =	vmul.f32 v2, v16;
	v2 =	vmul.f32 v2, v8;
	v8 =	vld [tilespmem:s7+$0xFFFFFF90]  }
0x163: {  	[tilespmem:s7+$0xFFFFFED0] =	vst v13;
	v13 =	vld [tilespmem:s7+$0xFFFFFFD0]  }
0x164: {  	[tilespmem:s7+$0xFFFFFEA0] =	vst v4;
	v4 =	vld [tilespmem:s7+$0xFFFFFF60]  }
0x165: {  	[tilespmem:s7+$0xFFFFFEB0] =	vst v15;
	v15 =	vld [tilespmem:s7+$0xFFFFFF70]  }
0x166: {  	[tilespmem:s7+$0xFFFFFEE0] =	vst v5;
	v12 =	vld.idx.msk [tilespmem:v12+s22+$0x0], $0xffff;
	v6 =	vmul.f32 v3, v9  }
0x167: {  	s11 =	simm.s32 $0x4;
	[tilespmem:s7+$0xFFFFFEF0] =	vst v2;
	v9 =	vld [tilespmem:s7+$0xFFFFFF50];
	v5 =	vmul.f32 v3, v10  }
0x168: {  	v16 =	vmov s11;
	v10 =	vld [tilespmem:s7+$0xFFFFFFA0];
	v2 =	vmul.f32 v3, v7;
	[tilespmem:s7+$0xFFFFFF00] =	vst v6  }
0x169: {  	v14 =	vmul.f32 v3, v14;
	v6 =	vand.u32 $0x7C, v16;
	v16 =	vld [tilespmem:s7+$0xFFFFFF80];
	[tilespmem:s7+$0xFFFFFF10] =	vst v5  }
0x16a: {  	v7 =	vld [tilespmem:s7+$0xFFFFFFB0];
	v4 =	vmul.f32 v3, v4;
	[tilespmem:s7+$0xFFFFFF20] =	vst v2;
	v6 =	vor.u32 $0x100, v6  }
0x16b: {  	v5 =	vmul.f32 v3, v11;
	v11 =	vld [tilespmem:s7+$0xFFFFFFC0];
	[tilespmem:s7+$0xFFFFFF40] =	vst v14;
	v6 =	vbroadcast v6, $0x0  }
0x16c: {  	v14 =	vld [tilespmem:s7+$0xFFFFFFF0];
	[tilespmem:s7+$0xFFFFFF60] =	vst v4;
	v4 =	vmul.f32 v12, v8  }
0x16d: {  	v8 =	vld [tilespmem:s7+$0x10];
	[tilespmem:s7+$0xFFFFFF30] =	vst v5;
	v9 =	vmul.f32 v3, v9  }
0x16e: {  	s9 =	simm.s32 $0x5;
	v5 =	vld [tilespmem:s7+$0xFFFFFFE0];
	[tilespmem:s7+$0xFFFFFF90] =	vst v4;
	v2 =	vmul.f32 v12, v16  }
0x16f: {  	v3 =	vmul.f32 v3, v15;
	v4 =	vmul.f32 v12, v7;
	v7 =	vld [tilespmem:s7+$0x30];
	v16 =	vmov s9;
	[tilespmem:s7+$0xFFFFFF50] =	vst v9  }
0x170: {  	v13 =	vmul.f32 v12, v13;
	v9 =	vld [tilespmem:s7+$0x0];
	[tilespmem:s7+$0xFFFFFF80] =	vst v2;
	v2 =	vand.u32 $0x7D, v16  }
0x171: {  	[tilespmem:s7+$0xFFFFFF70] =	vst v3;
	v3 =	vmul.f32 v12, v10;
	v6 =	vld.idx.msk [tilespmem:v6+s22+$0x0], $0xffff;
	v2 =	vor.u32 $0x100, v2  }
0x172: {  	[tilespmem:s7+$0xFFFFFFD0] =	vst v13;
	v13 =	vld [tilespmem:s7+$0x70];
	v2 =	vbroadcast v2, $0x0  }
0x173: {  	v10 =	vld [tilespmem:s7+$0x20];
	[tilespmem:s7+$0xFFFFFFA0] =	vst v3;
	v3 =	vmul.f32 v12, v11  }
0x174: {  	[tilespmem:s7+$0xFFFFFFB0] =	vst v4;
	v11 =	vld [tilespmem:s7+$0x40];
	v5 =	vmul.f32 v12, v5;
	v12 =	vmul.f32 v12, v14  }
0x175: {  	[tilespmem:s7+$0xFFFFFFC0] =	vst v3;
	v3 =	vld [tilespmem:s7+$0x60]  }
0x176: {  	s11 =	simm.s32 $0x6;
	[tilespmem:s7+$0xFFFFFFF0] =	vst v12;
	v12 =	vld [tilespmem:s7+$0x90];
	v4 =	vmul.f32 v6, v9  }
0x177: {  	v15 =	vmov s11;
	[tilespmem:s7+$0xFFFFFFE0] =	vst v5;
	v9 =	vld [tilespmem:s7+$0x50];
	v5 =	vmul.f32 v6, v8  }
0x178: {  	v10 =	vmul.f32 v6, v10;
	v2 =	vld.idx.msk [tilespmem:v2+s22+$0x0], $0xffff;
	[tilespmem:s7+$0x0] =	vst v4;
	v4 =	vand.u32 $0x7E, v15  }
0x179: {  	v8 =	vld [tilespmem:s7+$0x80];
	[tilespmem:s7+$0x10] =	vst v5;
	v5 =	vmul.f32 v6, v7;
	v4 =	vor.u32 $0x100, v4  }
0x17a: {  	[tilespmem:s7+$0x20] =	vst v10;
	v10 =	vmul.f32 v6, v11;
	v11 =	vld [tilespmem:s7+$0xB0];
	v4 =	vbroadcast v4, $0x0  }
0x17b: {  	v3 =	vmul.f32 v6, v3;
	v7 =	vld [tilespmem:s7+$0xA0];
	[tilespmem:s7+$0x30] =	vst v5  }
0x17c: {  	[tilespmem:s7+$0x40] =	vst v10;
	v10 =	vld [tilespmem:s7+$0xD0];
	v5 =	vmul.f32 v6, v9  }
0x17d: {  	[tilespmem:s7+$0x60] =	vst v3;
	v9 =	vld [tilespmem:s7+$0xC0];
	v3 =	vmul.f32 v2, v12  }
0x17e: {  	[tilespmem:s7+$0x50] =	vst v5;
	v5 =	vld [tilespmem:s7+$0xE0]  }
0x17f: {  	[tilespmem:s7+$0x90] =	vst v3;
	v3 =	vmul.f32 v2, v11;
	v11 =	vld [tilespmem:s7+$0x110]  }
0x180: {  	v16 =	vld.idx.msk [tilespmem:v4+s22+$0x0], $0xffff  }
0x181: {  	[tilespmem:s7+$0xFFFFFEC0] =	vst v17;
	v4 =	vmul.f32 v6, v13;
	v6 =	vld [tilespmem:s7+$0xF0]  }
0x182: {  	s11 =	simm.s32 $0x9;
	v8 =	vmul.f32 v2, v8;
	[tilespmem:s7+$0xB0] =	vst v3;
	v3 =	vmul.f32 v2, v10;
	v10 =	vld [tilespmem:s7+$0x130]  }
0x183: {  	s9 =	simm.s32 $0x8;
	v12 =	vmov s11;
	s11 =	simm.s32 $0xB;
	[tilespmem:s7+$0x70] =	vst v4;
	v4 =	vmul.f32 v2, v7;
	v7 =	vld [tilespmem:s7+$0x100]  }
0x184: {  	v14 =	vmov s11;
	s11 =	simm.s32 $0xD;
	[tilespmem:s7+$0x80] =	vst v8;
	v8 =	vmov s9;
	s9 =	simm.s32 $0xA  }
0x185: {  	v17 =	vmov s11;
	v13 =	vmov s9;
	s9 =	simm.s32 $0xC;
	[tilespmem:s7+$0xA0] =	vst v4;
	v4 =	vmul.f32 v2, v9;
	v9 =	vld [tilespmem:s7+$0x120]  }
0x186: {  	v8 =	vand.u32 $0x78, v8;
	v15 =	vmov s9;
	[tilespmem:s7+$0xD0] =	vst v3;
	v11 =	vmul.f32 v16, v11  }
0x187: {  	s11 =	simm.s32 $0xE;
	v8 =	vor.u32 $0x100, v8;
	[tilespmem:s7+$0xC0] =	vst v4;
	v4 =	vmul.f32 v2, v5;
	v5 =	vld [tilespmem:s7+$0x140];
	v2 =	vmul.f32 v2, v6  }
0x188: {  	v61 =	vld [tilespmem:s7+$0x150];
	v6 =	vmov s11;
	v10 =	vmul.f32 v16, v10;
	v3 =	vmul.f32 v16, v7;
	[tilespmem:s7+$0x110] =	vst v11  }
0x189: {  	v62 =	vld [tilespmem:s7+$0x160];
	v7 =	vand.u32 $0x79, v12;
	v12 =	vand.u32 $0x7A, v13;
	v13 =	vand.u32 $0x7C, v15;
	[tilespmem:s7+$0xE0] =	vst v4  }
0x18a: {  	v15 =	vand.u32 $0x7E, v6;
	[tilespmem:s7+$0xF0] =	vst v2;
	v2 =	vand.u32 $0x7D, v17;
	v17 =	vld [tilespmem:s7+$0x170];
	v9 =	vmul.f32 v16, v9  }
0x18b: {  	v6 =	vld [tilespmem:s7+$0x180];
	v4 =	vand.u32 $0x7B, v14;
	v11 =	vor.u32 $0x100, v12;
	v13 =	vor.u32 $0x100, v13;
	[tilespmem:s7+$0x100] =	vst v3  }
0x18c: {  	v3 =	vbroadcast v8, $0x0;
	v8 =	vor.u32 $0x100, v7;
	v7 =	vld [tilespmem:s7+$0x190];
	[tilespmem:s7+$0x120] =	vst v9;
	v9 =	vmul.f32 v16, v5  }
0x18d: {  	[tilespmem:s7+$0x130] =	vst v10;
	v10 =	vmul.f32 v16, v61;
	v63 =	vor.u32 $0x100, v4;
	v4 =	vbroadcast v8, $0x0;
	v8 =	vld [tilespmem:s7+$0x1A0]  }
0x18e: {  	v12 =	vmul.f32 v16, v62;
	v15 =	vor.u32 $0x100, v15;
	v5 =	vbroadcast v11, $0x0;
	[tilespmem:s7+$0x140] =	vst v9;
	v9 =	vld [tilespmem:s7+$0x1B0]  }
0x18f: {  	s8 =	simm.s32 $0x10;
	s9 =	simm.s32 $0xF;
	v14 =	vor.u32 $0x100, v2;
	[tilespmem:s7+$0x150] =	vst v10;
	v10 =	vld [tilespmem:s7+$0x1C0];
	v11 =	vbroadcast v63, $0x0;
	v2 =	vmul.f32 v16, v17  }
.LBB2_7:
0x190: {  	p2 =	slt.u32 s8, $0x78;
	v13 =	vbroadcast v13, $0x0;
	v16 =	vmov s9;
	[tilespmem:s7+$0x160] =	vst v12;
	v6 =	vmul.f32 v1, v6;
	v12 =	vld [tilespmem:s7+$0x1D0]  }
0x191: {  	v14 =	vbroadcast v14, $0x0;
	v16 =	vand.u32 $0x7F, v16;
	[tilespmem:s7+$0x170] =	vst v2;
	v2 =	vmul.f32 v1, v7;
	v7 =	vld [tilespmem:s7+$0x1E0]  }
0x192: {  	v15 =	vbroadcast v15, $0x0;
	v17 =	vld.idx.msk [tilespmem:v3+s22+$0x0], $0xffff;
	v3 =	vor.u32 $0x100, v16;
	[tilespmem:s7+$0x180] =	vst v6;
	v6 =	vmul.f32 v1, v8  }
0x193: {  	v8 =	vld.idx.msk [tilespmem:v4+s22+$0x0], $0xffff;
	v16 =	vbroadcast v3, $0x0;
	[tilespmem:s7+$0x190] =	vst v2;
	v2 =	vmul.f32 v1, v9  }
0x194: {  	v9 =	vld.idx.msk [tilespmem:v5+s22+$0x0], $0xffff;
	[tilespmem:s7+$0x1A0] =	vst v6;
	v3 =	vmul.f32 v1, v10  }
0x195: {  	v5 =	vld.idx.msk [tilespmem:v11+s22+$0x0], $0xffff;
	[tilespmem:s7+$0x1B0] =	vst v2;
	v2 =	vmul.f32 v1, v12  }
0x196: {  	v4 =	vld.idx.msk [tilespmem:v13+s22+$0x0], $0xffff;
	[tilespmem:s7+$0x1C0] =	vst v3;
	v1 =	vmul.f32 v1, v7  }
0x197: {  	v3 =	vld.idx.msk [tilespmem:v14+s22+$0x0], $0xffff;
	[tilespmem:s7+$0x1D0] =	vst v2  }
0x198: {  	v2 =	vld.idx.msk [tilespmem:v15+s22+$0x0], $0xffff;
	[tilespmem:s7+$0x1E0] =	vst v1  }
0x199: {  	s7 =	sadd.s32 $0x400, s7;
	v1 =	vld.idx.msk [tilespmem:v16+s22+$0x0], $0xffff  }
0x19a: {  	v6 =	vld [tilespmem:s7+$0x1F0]  }
0x19b: {  	v7 =	vld [tilespmem:s7+$0xFFFFFE00]  }
0x19c: {  	v10 =	vld [tilespmem:s7+$0xFFFFFE10]  }
0x19d: {  	v11 =	vld [tilespmem:s7+$0xFFFFFE20]  }
0x19e: {  	v12 =	vld [tilespmem:s7+$0xFFFFFE30]  }
0x19f: {  	v13 =	vld [tilespmem:s7+$0xFFFFFE40];
	v6 =	vmul.f32 v1, v6  }
0x1a0: {  	v7 =	vmul.f32 v17, v7;
	v14 =	vld [tilespmem:s7+$0xFFFFFE50]  }
0x1a1: {  	v10 =	vmul.f32 v17, v10;
	v15 =	vld [tilespmem:s7+$0xFFFFFE60];
	[tilespmem:s7+$0x1F0] =	vst v6  }
0x1a2: {  	[tilespmem:s7+$0xFFFFFE00] =	vst v7;
	v6 =	vmul.f32 v17, v11;
	v7 =	vld [tilespmem:s7+$0xFFFFFE70]  }
0x1a3: {  	[tilespmem:s7+$0xFFFFFE10] =	vst v10;
	v10 =	vmul.f32 v17, v12;
	v11 =	vld [tilespmem:s7+$0xFFFFFE80]  }
0x1a4: {  	[tilespmem:s7+$0xFFFFFE20] =	vst v6;
	v6 =	vmul.f32 v17, v13;
	v12 =	vld [tilespmem:s7+$0xFFFFFE90]  }
0x1a5: {  	[tilespmem:s7+$0xFFFFFE30] =	vst v10;
	v10 =	vmul.f32 v17, v14;
	v13 =	vld [tilespmem:s7+$0xFFFFFEA0]  }
0x1a6: {  	[tilespmem:s7+$0xFFFFFE40] =	vst v6;
	v6 =	vmul.f32 v17, v15;
	v14 =	vld [tilespmem:s7+$0xFFFFFEB0]  }
0x1a7: {  	[tilespmem:s7+$0xFFFFFE50] =	vst v10;
	v7 =	vmul.f32 v17, v7;
	v10 =	vld [tilespmem:s7+$0xFFFFFEC0]  }
0x1a8: {  	[tilespmem:s7+$0xFFFFFE60] =	vst v6;
	v6 =	vmul.f32 v8, v11;
	v11 =	vld [tilespmem:s7+$0xFFFFFED0]  }
0x1a9: {  	[tilespmem:s7+$0xFFFFFE70] =	vst v7;
	v7 =	vmul.f32 v8, v12;
	v12 =	vld [tilespmem:s7+$0xFFFFFEE0]  }
0x1aa: {  	[tilespmem:s7+$0xFFFFFE80] =	vst v6;
	v6 =	vmul.f32 v8, v13;
	v13 =	vld [tilespmem:s7+$0xFFFFFEF0]  }
0x1ab: {  	[tilespmem:s7+$0xFFFFFE90] =	vst v7;
	v7 =	vmul.f32 v8, v14;
	v14 =	vld [tilespmem:s7+$0xFFFFFF00]  }
0x1ac: {  	[tilespmem:s7+$0xFFFFFEA0] =	vst v6;
	v6 =	vmul.f32 v8, v10;
	v10 =	vld [tilespmem:s7+$0xFFFFFF10]  }
0x1ad: {  	[tilespmem:s7+$0xFFFFFEB0] =	vst v7;
	v7 =	vmul.f32 v8, v11;
	v11 =	vld [tilespmem:s7+$0xFFFFFF20]  }
0x1ae: {  	[tilespmem:s7+$0xFFFFFEC0] =	vst v6;
	v6 =	vmul.f32 v8, v12;
	v12 =	vld [tilespmem:s7+$0xFFFFFF30]  }
0x1af: {  	[tilespmem:s7+$0xFFFFFED0] =	vst v7;
	v7 =	vmul.f32 v8, v13;
	v8 =	vld [tilespmem:s7+$0xFFFFFF40]  }
0x1b0: {  	[tilespmem:s7+$0xFFFFFEE0] =	vst v6;
	v6 =	vmul.f32 v9, v14;
	v13 =	vld [tilespmem:s7+$0xFFFFFF50]  }
0x1b1: {  	[tilespmem:s7+$0xFFFFFEF0] =	vst v7;
	v7 =	vmul.f32 v9, v10;
	v10 =	vld [tilespmem:s7+$0xFFFFFF60]  }
0x1b2: {  	[tilespmem:s7+$0xFFFFFF00] =	vst v6;
	v6 =	vmul.f32 v9, v11;
	v11 =	vld [tilespmem:s7+$0xFFFFFF70]  }
0x1b3: {  	[tilespmem:s7+$0xFFFFFF10] =	vst v7;
	v7 =	vmul.f32 v9, v12;
	v12 =	vld [tilespmem:s7+$0xFFFFFF80]  }
0x1b4: {  	[tilespmem:s7+$0xFFFFFF20] =	vst v6;
	v6 =	vmul.f32 v9, v8;
	v8 =	vld [tilespmem:s7+$0xFFFFFF90]  }
0x1b5: {  	[tilespmem:s7+$0xFFFFFF30] =	vst v7;
	v7 =	vmul.f32 v9, v13;
	v13 =	vld [tilespmem:s7+$0xFFFFFFA0]  }
0x1b6: {  	[tilespmem:s7+$0xFFFFFF40] =	vst v6;
	v6 =	vmul.f32 v9, v10;
	v10 =	vld [tilespmem:s7+$0xFFFFFFB0]  }
0x1b7: {  	[tilespmem:s7+$0xFFFFFF50] =	vst v7;
	v7 =	vmul.f32 v9, v11;
	v9 =	vld [tilespmem:s7+$0xFFFFFFC0]  }
0x1b8: {  	[tilespmem:s7+$0xFFFFFF60] =	vst v6;
	v6 =	vmul.f32 v5, v12;
	v11 =	vld [tilespmem:s7+$0xFFFFFFD0]  }
0x1b9: {  	[tilespmem:s7+$0xFFFFFF70] =	vst v7;
	v7 =	vmul.f32 v5, v8;
	v8 =	vld [tilespmem:s7+$0xFFFFFFE0]  }
0x1ba: {  	[tilespmem:s7+$0xFFFFFF80] =	vst v6;
	v6 =	vmul.f32 v5, v13;
	v12 =	vld [tilespmem:s7+$0xFFFFFFF0]  }
0x1bb: {  	[tilespmem:s7+$0xFFFFFF90] =	vst v7;
	v7 =	vmul.f32 v5, v10;
	v10 =	vld [tilespmem:s7+$0x0]  }
0x1bc: {  	[tilespmem:s7+$0xFFFFFFA0] =	vst v6;
	v6 =	vmul.f32 v5, v9;
	v9 =	vld [tilespmem:s7+$0x10]  }
0x1bd: {  	[tilespmem:s7+$0xFFFFFFB0] =	vst v7;
	v7 =	vmul.f32 v5, v11;
	v11 =	vld [tilespmem:s7+$0x20]  }
0x1be: {  	[tilespmem:s7+$0xFFFFFFC0] =	vst v6;
	v6 =	vmul.f32 v5, v8;
	v8 =	vld [tilespmem:s7+$0x30]  }
0x1bf: {  	[tilespmem:s7+$0xFFFFFFD0] =	vst v7;
	v5 =	vmul.f32 v5, v12;
	v7 =	vld [tilespmem:s7+$0x40]  }
0x1c0: {  	[tilespmem:s7+$0xFFFFFFE0] =	vst v6;
	v6 =	vmul.f32 v4, v10;
	v10 =	vld [tilespmem:s7+$0x50]  }
0x1c1: {  	[tilespmem:s7+$0xFFFFFFF0] =	vst v5;
	v5 =	vmul.f32 v4, v9;
	v9 =	vld [tilespmem:s7+$0x60]  }
0x1c2: {  	[tilespmem:s7+$0x0] =	vst v6;
	v6 =	vmul.f32 v4, v11;
	v11 =	vld [tilespmem:s7+$0x70]  }
0x1c3: {  	[tilespmem:s7+$0x10] =	vst v5;
	v5 =	vmul.f32 v4, v8;
	v8 =	vld [tilespmem:s7+$0x80]  }
0x1c4: {  	[tilespmem:s7+$0x20] =	vst v6;
	v6 =	vmul.f32 v4, v7;
	v7 =	vld [tilespmem:s7+$0x90]  }
0x1c5: {  	[tilespmem:s7+$0x30] =	vst v5;
	v5 =	vmul.f32 v4, v10;
	v10 =	vld [tilespmem:s7+$0xA0]  }
0x1c6: {  	[tilespmem:s7+$0x40] =	vst v6;
	v6 =	vmul.f32 v4, v9;
	v9 =	vld [tilespmem:s7+$0xB0]  }
0x1c7: {  	[tilespmem:s7+$0x50] =	vst v5;
	v4 =	vmul.f32 v4, v11;
	v5 =	vld [tilespmem:s7+$0xC0]  }
0x1c8: {  	[tilespmem:s7+$0x60] =	vst v6;
	v6 =	vmul.f32 v3, v8;
	v8 =	vld [tilespmem:s7+$0xD0]  }
0x1c9: {  	[tilespmem:s7+$0x70] =	vst v4;
	v4 =	vmul.f32 v3, v7;
	v7 =	vld [tilespmem:s7+$0xE0]  }
0x1ca: {  	[tilespmem:s7+$0x80] =	vst v6;
	v6 =	vmul.f32 v3, v10;
	v10 =	vld [tilespmem:s7+$0xF0]  }
0x1cb: {  	s9 =	sadd.s32 $0x1, s8;
	v11 =	vmov s8;
	[tilespmem:s7+$0x90] =	vst v4;
	v4 =	vmul.f32 v3, v9;
	v9 =	vld [tilespmem:s7+$0x100]  }
0x1cc: {  	s11 =	sadd.s32 $0x3, s8;
	v12 =	vmov s9;
	s9 =	sadd.s32 $0x2, s8;
	v11 =	vand.u32 $0x78, v11;
	[tilespmem:s7+$0xA0] =	vst v6;
	v5 =	vmul.f32 v3, v5;
	v6 =	vld [tilespmem:s7+$0x110]  }
0x1cd: {  	v14 =	vmov s11;
	s11 =	sadd.s32 $0x5, s8;
	v13 =	vmov s9;
	s9 =	sadd.s32 $0x4, s8;
	[tilespmem:s7+$0xB0] =	vst v4;
	v4 =	vmul.f32 v3, v8;
	v8 =	vld [tilespmem:s7+$0x120]  }
0x1ce: {  	v16 =	vmov s11;
	v15 =	vmov s9;
	s9 =	sadd.s32 $0x6, s8;
	[tilespmem:s7+$0xC0] =	vst v5;
	v5 =	vmul.f32 v3, v7;
	v7 =	vld [tilespmem:s7+$0x130]  }
0x1cf: {  	v17 =	vmov s9;
	v11 =	vor.u32 $0x100, v11;
	[tilespmem:s7+$0xD0] =	vst v4;
	v3 =	vmul.f32 v3, v10;
	v4 =	vld [tilespmem:s7+$0x140]  }
0x1d0: {  	v10 =	vand.u32 $0x79, v12;
	v12 =	vand.u32 $0x7A, v13;
	[tilespmem:s7+$0xE0] =	vst v5;
	v5 =	vmul.f32 v2, v9;
	v9 =	vld [tilespmem:s7+$0x150]  }
0x1d1: {  	v13 =	vand.u32 $0x7B, v14;
	v14 =	vand.u32 $0x7C, v15;
	[tilespmem:s7+$0xF0] =	vst v3;
	v6 =	vmul.f32 v2, v6;
	v15 =	vld [tilespmem:s7+$0x160]  }
0x1d2: {  	v16 =	vand.u32 $0x7D, v16;
	v17 =	vand.u32 $0x7E, v17;
	[tilespmem:s7+$0x100] =	vst v5;
	v5 =	vmul.f32 v2, v8;
	v18 =	vld [tilespmem:s7+$0x170]  }
.Ltmp4:
0x1d3: {  	v3 =	vbroadcast v11, $0x0;
	v8 =	vor.u32 $0x100, v10;
	[tilespmem:s7+$0x110] =	vst v6;
	v10 =	vmul.f32 v2, v7;
	v6 =	vld [tilespmem:s7+$0x180];
	(pc) =	sbr.rel @p2 .LBB2_7-.Ltmp4, $4  }
0x1d4: {  	v19 =	vor.u32 $0x100, v13;
	v11 =	vor.u32 $0x100, v12;
	[tilespmem:s7+$0x120] =	vst v5;
	v12 =	vmul.f32 v2, v4;
	v7 =	vld [tilespmem:s7+$0x190]  }
0x1d5: {  	v13 =	vor.u32 $0x100, v14;
	v4 =	vbroadcast v8, $0x0;
	[tilespmem:s7+$0x130] =	vst v10;
	v10 =	vmul.f32 v2, v9;
	v8 =	vld [tilespmem:s7+$0x1A0]  }
0x1d6: {  	v14 =	vor.u32 $0x100, v16;
	v5 =	vbroadcast v11, $0x0;
	[tilespmem:s7+$0x140] =	vst v12;
	v12 =	vmul.f32 v2, v15;
	v9 =	vld [tilespmem:s7+$0x1B0]  }
0x1d7: {  	s9 =	sadd.s32 $0x7, s8;
	s8 =	sadd.s32 $0x8, s8;
	v11 =	vbroadcast v19, $0x0;
	v15 =	vor.u32 $0x100, v17;
	[tilespmem:s7+$0x150] =	vst v10;
	v2 =	vmul.f32 v2, v18;
	v10 =	vld [tilespmem:s7+$0x1C0]  }
0x1d8: {  	_ =	sdelay $0x1  }
0x1d9: {  	v17 =	vld [tilespmem:s7+$0x1D0]  }
0x1da: {  	v18 =	vld [tilespmem:s7+$0x1E0]  }
0x1db: {  	v19 =	vld.idx.msk [tilespmem:v3+s22+$0x0], $0xffff  }
0x1dc: {  	v63 =	vld.idx.msk [tilespmem:v4+s22+$0x0], $0xffff  }
0x1dd: {  	v20 =	vld.idx.msk [tilespmem:v5+s22+$0x0], $0xffff  }
0x1de: {  	s8 =	sadd.s32 $0x400, s7;
	v11 =	vld.idx.msk [tilespmem:v11+s22+$0x0], $0xffff  }
0x1df: {  	v23 =	vld [tilespmem:s8+$0x1F0]  }
0x1e0: {  	v25 =	vld [tilespmem:s8+$0xFFFFFE00]  }
0x1e1: {  	[tilespmem:s7+$0x160] =	vst v12;
	v6 =	vmul.f32 v1, v6;
	v27 =	vld [tilespmem:s8+$0xFFFFFE10]  }
0x1e2: {  	[tilespmem:s7+$0x170] =	vst v2;
	v7 =	vmul.f32 v1, v7;
	v29 =	vld [tilespmem:s8+$0xFFFFFE20]  }
0x1e3: {  	v30 =	vld [tilespmem:s8+$0xFFFFFE30];
	[tilespmem:s7+$0x180] =	vst v6;
	v22 =	vmul.f32 v1, v8  }
0x1e4: {  	v31 =	vld [tilespmem:s8+$0xFFFFFE40];
	[tilespmem:s7+$0x190] =	vst v7;
	v24 =	vmul.f32 v1, v9  }
0x1e5: {  	v32 =	vld [tilespmem:s8+$0xFFFFFE50];
	[tilespmem:s7+$0x1A0] =	vst v22;
	v26 =	vmul.f32 v1, v10  }
0x1e6: {  	v33 =	vld [tilespmem:s8+$0xFFFFFE60];
	[tilespmem:s7+$0x1B0] =	vst v24;
	v28 =	vmul.f32 v1, v17  }
0x1e7: {  	v34 =	vld [tilespmem:s8+$0xFFFFFE70];
	v1 =	vmul.f32 v1, v18;
	[tilespmem:s7+$0x1C0] =	vst v26  }
0x1e8: {  	v35 =	vld [tilespmem:s8+$0xFFFFFE80];
	v10 =	vmul.f32 v19, v27;
	[tilespmem:s7+$0x1D0] =	vst v28  }
0x1e9: {  	v36 =	vld [tilespmem:s8+$0xFFFFFE90];
	[tilespmem:s7+$0x1E0] =	vst v1;
	v1 =	vmul.f32 v19, v25  }
0x1ea: {  	v38 =	vld [tilespmem:s8+$0xFFFFFEA0];
	v6 =	vmul.f32 v19, v30;
	[tilespmem:s8+$0xFFFFFE10] =	vst v10  }
0x1eb: {  	v39 =	vld [tilespmem:s8+$0xFFFFFEB0];
	[tilespmem:s8+$0xFFFFFE00] =	vst v1;
	v1 =	vmul.f32 v19, v29  }
0x1ec: {  	v41 =	vld [tilespmem:s8+$0xFFFFFEC0];
	v37 =	vmul.f32 v19, v32;
	[tilespmem:s8+$0xFFFFFE30] =	vst v6  }
0x1ed: {  	v42 =	vld [tilespmem:s8+$0xFFFFFED0];
	[tilespmem:s8+$0xFFFFFE20] =	vst v1;
	v1 =	vmul.f32 v19, v31  }
0x1ee: {  	v44 =	vld [tilespmem:s8+$0xFFFFFEE0];
	v40 =	vmul.f32 v19, v34;
	[tilespmem:s8+$0xFFFFFE50] =	vst v37  }
0x1ef: {  	v45 =	vld [tilespmem:s8+$0xFFFFFEF0];
	[tilespmem:s8+$0xFFFFFE40] =	vst v1;
	v1 =	vmul.f32 v19, v33  }
0x1f0: {  	v47 =	vld [tilespmem:s8+$0xFFFFFF00];
	v43 =	vmul.f32 v63, v36;
	[tilespmem:s8+$0xFFFFFE70] =	vst v40  }
0x1f1: {  	v48 =	vld [tilespmem:s8+$0xFFFFFF10];
	[tilespmem:s8+$0xFFFFFE60] =	vst v1;
	v1 =	vmul.f32 v63, v35  }
0x1f2: {  	v50 =	vld [tilespmem:s8+$0xFFFFFF20];
	v46 =	vmul.f32 v63, v39;
	[tilespmem:s8+$0xFFFFFE90] =	vst v43  }
0x1f3: {  	v51 =	vld [tilespmem:s8+$0xFFFFFF30];
	[tilespmem:s8+$0xFFFFFE80] =	vst v1;
	v1 =	vmul.f32 v63, v38  }
0x1f4: {  	v53 =	vld [tilespmem:s8+$0xFFFFFF40];
	v49 =	vmul.f32 v63, v42;
	[tilespmem:s8+$0xFFFFFEB0] =	vst v46  }
0x1f5: {  	v54 =	vld [tilespmem:s8+$0xFFFFFF50];
	[tilespmem:s8+$0xFFFFFEA0] =	vst v1;
	v1 =	vmul.f32 v63, v41  }
0x1f6: {  	v56 =	vld [tilespmem:s8+$0xFFFFFF60];
	v52 =	vmul.f32 v63, v45;
	[tilespmem:s8+$0xFFFFFED0] =	vst v49  }
0x1f7: {  	v13 =	vbroadcast v13, $0x0;
	v16 =	vmov s9;
	v57 =	vld [tilespmem:s8+$0xFFFFFF70];
	[tilespmem:s8+$0xFFFFFEC0] =	vst v1;
	v1 =	vmul.f32 v63, v44  }
0x1f8: {  	v3 =	vbroadcast v15, $0x0;
	v16 =	vand.u32 $0x7F, v16;
	v59 =	vld [tilespmem:s8+$0xFFFFFF80];
	v55 =	vmul.f32 v20, v48;
	[tilespmem:s8+$0xFFFFFEF0] =	vst v52  }
0x1f9: {  	v60 =	vld [tilespmem:s8+$0xFFFFFF90];
	v62 =	vor.u32 $0x100, v16;
	[tilespmem:s8+$0xFFFFFEE0] =	vst v1;
	v1 =	vmul.f32 v20, v47  }
0x1fa: {  	v16 =	vld [tilespmem:s8+$0xFFFFFFC0];
	v15 =	vbroadcast v62, $0x0;
	v58 =	vmul.f32 v20, v51;
	[tilespmem:s8+$0xFFFFFF10] =	vst v55  }
0x1fb: {  	v62 =	vld [tilespmem:s8+$0xFFFFFFA0];
	[tilespmem:s8+$0xFFFFFF00] =	vst v1;
	v1 =	vmul.f32 v20, v50  }
0x1fc: {  	v17 =	vld [tilespmem:s8+$0xFFFFFFD0];
	v61 =	vmul.f32 v20, v54;
	[tilespmem:s8+$0xFFFFFF30] =	vst v58  }
0x1fd: {  	v5 =	vld.idx.msk [tilespmem:v13+s22+$0x0], $0xffff;
	[tilespmem:s8+$0xFFFFFF20] =	vst v1;
	v1 =	vmul.f32 v20, v53  }
0x1fe: {  	v3 =	vld.idx.msk [tilespmem:v3+s22+$0x0], $0xffff;
	v18 =	vmul.f32 v11, v60;
	[tilespmem:s8+$0xFFFFFF50] =	vst v61  }
0x1ff: {  	v51 =	vld [tilespmem:s8+$0x150];
	[tilespmem:s8+$0xFFFFFF40] =	vst v1;
	v1 =	vmul.f32 v20, v56  }
0x200: {  	[tilespmem:s8+$0xFFFFFF90] =	vst v18;
	v2 =	vld.idx.msk [tilespmem:v15+s22+$0x0], $0xffff;
	v15 =	vmul.f32 v20, v57  }
0x201: {  	v14 =	vbroadcast v14, $0x0;
	v26 =	vld [tilespmem:s8+$0x30];
	[tilespmem:s8+$0xFFFFFF60] =	vst v1;
	v1 =	vmul.f32 v11, v59  }
0x202: {  	v24 =	vmul.f32 v11, v17;
	[tilespmem:s8+$0xFFFFFF70] =	vst v15;
	v19 =	vld [tilespmem:s8+$0xFFFFFFE0]  }
0x203: {  	v46 =	vld [tilespmem:s8+$0x110];
	[tilespmem:s8+$0xFFFFFF80] =	vst v1;
	v1 =	vmul.f32 v11, v62  }
0x204: {  	v22 =	vld [tilespmem:s8+$0x0];
	v58 =	vmul.f32 v3, v51;
	[tilespmem:s8+$0xFFFFFFD0] =	vst v24  }
0x205: {  	v49 =	vld [tilespmem:s8+$0x130];
	[tilespmem:s8+$0xFFFFFFA0] =	vst v1;
	v1 =	vmul.f32 v11, v16  }
0x206: {  	v25 =	vld [tilespmem:s8+$0x20];
	v33 =	vmul.f32 v5, v26;
	[tilespmem:s8+$0x150] =	vst v58  }
0x207: {  	v4 =	vld.idx.msk [tilespmem:v14+s22+$0x0], $0xffff;
	[tilespmem:s8+$0xFFFFFFC0] =	vst v1;
	v1 =	vmul.f32 v11, v19  }
0x208: {  	v28 =	vld [tilespmem:s8+$0x40];
	v52 =	vmul.f32 v3, v46;
	[tilespmem:s8+$0x30] =	vst v33  }
0x209: {  	v29 =	vld [tilespmem:s8+$0x50];
	[tilespmem:s8+$0xFFFFFFE0] =	vst v1;
	v1 =	vmul.f32 v5, v22  }
0x20a: {  	v31 =	vld [tilespmem:s8+$0x60];
	v55 =	vmul.f32 v3, v49;
	[tilespmem:s8+$0x110] =	vst v52  }
0x20b: {  	v8 =	vmul.f32 v2, v23;
	v23 =	vld [tilespmem:s8+$0x10];
	[tilespmem:s8+$0x0] =	vst v1;
	v1 =	vmul.f32 v5, v25  }
0x20c: {  	v34 =	vld [tilespmem:s8+$0x80];
	[tilespmem:s8+$0x130] =	vst v55  }
0x20d: {  	v35 =	vld [tilespmem:s8+$0x90];
	[tilespmem:s8+$0x20] =	vst v1;
	v1 =	vmul.f32 v5, v28  }
0x20e: {  	v37 =	vld [tilespmem:s8+$0xA0];
	v36 =	vmul.f32 v5, v29;
	[tilespmem:s8+$0x1F0] =	vst v8  }
0x20f: {  	v38 =	vld [tilespmem:s8+$0xB0];
	[tilespmem:s8+$0x40] =	vst v1;
	v1 =	vmul.f32 v5, v31  }
0x210: {  	v39 =	vld [tilespmem:s8+$0xC0];
	[tilespmem:s8+$0x50] =	vst v36;
	v30 =	vmul.f32 v5, v23  }
0x211: {  	v40 =	vld [tilespmem:s8+$0xD0];
	[tilespmem:s8+$0x60] =	vst v1;
	v1 =	vmul.f32 v4, v34  }
0x212: {  	v42 =	vld [tilespmem:s8+$0xE0];
	v41 =	vmul.f32 v4, v35;
	[tilespmem:s8+$0x10] =	vst v30  }
0x213: {  	v63 =	vld [tilespmem:s8+$0xFFFFFFB0];
	[tilespmem:s8+$0x80] =	vst v1;
	v1 =	vmul.f32 v4, v37  }
0x214: {  	v45 =	vld [tilespmem:s8+$0x100];
	[tilespmem:s8+$0x90] =	vst v41;
	v44 =	vmul.f32 v4, v38  }
0x215: {  	v20 =	vld [tilespmem:s8+$0xFFFFFFF0];
	[tilespmem:s8+$0xA0] =	vst v1;
	v1 =	vmul.f32 v4, v39  }
0x216: {  	v48 =	vld [tilespmem:s8+$0x120];
	v47 =	vmul.f32 v4, v40;
	[tilespmem:s8+$0xB0] =	vst v44  }
0x217: {  	v32 =	vld [tilespmem:s8+$0x70];
	[tilespmem:s8+$0xC0] =	vst v1;
	v1 =	vmul.f32 v4, v42  }
0x218: {  	[tilespmem:s8+$0xD0] =	vst v47;
	v50 =	vld [tilespmem:s8+$0x140];
	v21 =	vmul.f32 v11, v63  }
0x219: {  	v43 =	vld [tilespmem:s8+$0xF0];
	[tilespmem:s8+$0xE0] =	vst v1;
	v1 =	vmul.f32 v3, v45  }
0x21a: {  	v53 =	vld [tilespmem:s8+$0x160];
	[tilespmem:s8+$0xFFFFFFB0] =	vst v21;
	v27 =	vmul.f32 v11, v20  }
0x21b: {  	v54 =	vld [tilespmem:s8+$0x170];
	[tilespmem:s8+$0x100] =	vst v1;
	v1 =	vmul.f32 v3, v48  }
0x21c: {  	v56 =	vld [tilespmem:s8+$0x180];
	[tilespmem:s8+$0xFFFFFFF0] =	vst v27;
	v5 =	vmul.f32 v5, v32  }
0x21d: {  	v57 =	vld [tilespmem:s8+$0x190];
	[tilespmem:s8+$0x120] =	vst v1;
	v1 =	vmul.f32 v3, v50  }
0x21e: {  	v59 =	vld [tilespmem:s8+$0x1A0];
	[tilespmem:s8+$0x70] =	vst v5;
	v4 =	vmul.f32 v4, v43  }
0x21f: {  	v60 =	vld [tilespmem:s8+$0x1B0];
	[tilespmem:s8+$0x140] =	vst v1;
	v1 =	vmul.f32 v3, v53  }
0x220: {  	v61 =	vld [tilespmem:s8+$0x1C0];
	[tilespmem:s8+$0xF0] =	vst v4;
	v3 =	vmul.f32 v3, v54  }
0x221: {  	v62 =	vld [tilespmem:s8+$0x1D0];
	[tilespmem:s8+$0x160] =	vst v1;
	v1 =	vmul.f32 v2, v56  }
0x222: {  	v63 =	vld [tilespmem:s8+$0x1E0];
	[tilespmem:s8+$0x170] =	vst v3;
	v3 =	vmul.f32 v2, v57  }
0x223: {  	[tilespmem:s8+$0x180] =	vst v1;
	v1 =	vmul.f32 v2, v59  }
0x224: {  	[tilespmem:s8+$0x190] =	vst v3;
	v3 =	vmul.f32 v2, v60  }
0x225: {  	[tilespmem:s8+$0x1A0] =	vst v1;
	v1 =	vmul.f32 v2, v61  }
0x226: {  	[tilespmem:s8+$0x1B0] =	vst v3;
	v3 =	vmul.f32 v2, v62  }
0x227: {  	[tilespmem:s8+$0x1C0] =	vst v1;
	v1 =	vmul.f32 v2, v63  }
0x228: {  	[tilespmem:s8+$0x1D0] =	vst v3  }
.Ltmp5:
0x229: {  	[tilespmem:s8+$0x1E0] =	vst v1;
	(pc) =	sbr.rel @p1 .LBB2_10-.Ltmp5, $4  }
0x22a: {  	[spmem:s2] =	stream.indirect.scatter.add.f32 [tilespmem:s24], [sflag:$0x5], $0x80, s29, s21, $0xb8;
	[tilespmem:$0x1BC80] =	vst v63  }
0x22b: {  	_ =	swait.ge [sflag:s19], $0x4000  }
0x22c: {  	[sflag:s19] =	ssyncset.done $0x0  }
0x22d: {  	[sflag:s19] =	ssyncadd.s32 $0xFFFFC000  }
.Ltmp6:
0x22e: {  	s4 =	sadd.s32 s4, s15;
	(pc) =	sbr.rel .LBB2_4-.Ltmp6, $4  }
0x22f: {  	s4 =	sshll.u32 s4, $0x6  }
0x230: {  	s4 =	sand.u32 $0x1FFFFFC0, s4  }
0x231: {  	s0 =	sadd.s32 $0x1, s0;
	s4 =	sadd.s32 s5, s4  }
0x232: {  	[tilespmem:s22], [sflag:$0x2] =	stream.linear.gather [hbm4b:s4+s3], $0x180, $0x38;
	[tilespmem:$0x1BC80] =	vst v63  }
.LBB2_11:
0x233: {  	_ =	sfence.sel $0x180000  }
0x234: {  	[bflag:$0x0] =	sbarrier.arrive $0xFFFF  }
0x235: {  	_ =	strace $0x90000047  }
0x236: {  	s0 =	stileid.u32;
	[bflag:$0x2] =	sbarrier.arrive $0xFFFF  }
0x237: {  	p0 =	sne.s32 s0, $0x0;
	s0 =	rddreg [dreg:$0x3]  }
0x238: {  	s0 =	sadd.s32 @!p0 $0x100000, s0  }
0x239: {  	[sflag:s0] =	ssyncadd.tile.s32 @!p0 $0x1;
	_ =	shalt  }
.Lfunc_end2:
_tile_overlayer_lowered:
.L_overlay_start_2:
0x23a: {  	(tag) =	ssettag $0x2  }
0x23b: {  	s0 =	rddreg [dreg:$0x0];
	s2 =	stileid.u32  }
0x23c: {  	s1 =	rddreg [dreg:$0x1];
	p0 =	sne.s32 s2, $0x0  }
0x23d: {  	s3 =	rddreg [dreg:$0x2];
	[bflag:$0x3] =	sbarrier.arrive $0xFFFF;
	s2 =	simm.s32 @!p0 $0x1C05  }
0x23e: {  	[timem:s3], [sflag:s2] =	dma.local @!p0 [hbm:s0], s1  }
0x23f: {  	s0 =	simm.s32 @!p0 $0x5  }
0x240: {  	_ =	swait.ge @!p0 [sflag:s0], s1  }
0x241: {  	s1 =	ssub.s32 @!p0 $0x0, s1;
	[sflag:s0] =	ssyncset.done @!p0 $0x0  }
0x242: {  	[sflag:s0] =	ssyncadd.s32 @!p0 s1  }
0x243: {  	[bflag:$0x3] =	sbarrier.arrive $0xFFFF  }
0x244: {  	_ =	shalt  }

</sc_bundles>
